<compile_context>
chip_gen: v7x
topology: tpu7x:2x2x1
jax: 0.10.2.dev20260603
libtpu: 0.0.44.dev20260713+nightly
codegen_flags: <defaults>
</compile_context>

<pallas_src>
import functools

import jax
import jax.numpy as jnp
from jax import lax
from jax.experimental import pallas as pl
from jax.experimental.pallas import tpu as pltpu
from jax.experimental.pallas import tpu_sc as plsc

N = 16384
D = 1024
DQ = 128
BLK = 2048
GRID = N // BLK

_INV_T = 0.08838834764831845


def _stream_body(key_feat_ref, Wq_ref, bq_ref, Wv_ref, bv_ref, feats_ref,
                 fusion_ref, idx_ref, qk_ref, z_ref, s_ref,
                 logits_ref):
    i = pl.program_id(0)

    @pl.when(i == 0)
    def _init():
        qk_ref[...] = key_feat_ref[...] @ Wq_ref[...] + bq_ref[...]
        z_ref[...] = jnp.zeros((1, 1), jnp.float32)
        s_ref[...] = jnp.zeros((1, D), jnp.float32)

    H = BLK // 4
    qk = qk_ref[...]
    fa = feats_ref[:H, :]
    fb = feats_ref[H:2 * H, :]
    fc = feats_ref[2 * H:3 * H, :]
    fd = feats_ref[3 * H:, :]
    qa = fa @ Wq_ref[...] + bq_ref[...]
    qb = fb @ Wq_ref[...] + bq_ref[...]
    qc = fc @ Wq_ref[...] + bq_ref[...]
    qd = fd @ Wq_ref[...] + bq_ref[...]
    la = lax.dot_general(qk, qa, (((1,), (1,)), ((), ())))
    lb = lax.dot_general(qk, qb, (((1,), (1,)), ((), ())))
    lc = lax.dot_general(qk, qc, (((1,), (1,)), ((), ())))
    ld = lax.dot_general(qk, qd, (((1,), (1,)), ((), ())))
    logits_ref[pl.ds(i, 1), :H] = la
    logits_ref[pl.ds(i, 1), H:2 * H] = lb
    logits_ref[pl.ds(i, 1), 2 * H:3 * H] = lc
    logits_ref[pl.ds(i, 1), 3 * H:] = ld

    pa = jnp.exp(la * _INV_T)
    pb = jnp.exp(lb * _INV_T)
    pc = jnp.exp(lc * _INV_T)
    pd = jnp.exp(ld * _INV_T)
    z_ref[...] = z_ref[...] + ((jnp.sum(pa) + jnp.sum(pb))
                               + (jnp.sum(pc) + jnp.sum(pd)))
    sa = lax.dot_general(pa, fa,
                         (((1,), (0,)), ((), ())),
                         preferred_element_type=jnp.float32)
    sb = lax.dot_general(pb, fb,
                         (((1,), (0,)), ((), ())),
                         preferred_element_type=jnp.float32)
    sc = lax.dot_general(pc, fc,
                         (((1,), (0,)), ((), ())),
                         preferred_element_type=jnp.float32)
    sd = lax.dot_general(pd, fd,
                         (((1,), (0,)), ((), ())),
                         preferred_element_type=jnp.float32)
    s_ref[...] = s_ref[...] + ((sa + sb) + (sc + sd))

    @pl.when(i == GRID - 1)
    def _fin():
        a = s_ref[...] / z_ref[...]
        fusion_ref[...] = a @ Wv_ref[...] + bv_ref[...]

        x0 = logits_ref[...]
        lane_k = lax.broadcasted_iota(jnp.int32, (1, DQ), 1)
        neg = jnp.float32(-jnp.inf)

        def vstep(t, carry):
            x, v = carry
            mval = jnp.max(x)
            v = jnp.where(lane_k == t, mval, v)
            x = jnp.where(x == mval, neg, x)
            return (x, v)

        _, v = lax.fori_loop(0, DQ, vstep,
                             (x0, jnp.full((1, DQ), neg, jnp.float32)),
                             unroll=16)

        xt = x0.T
        lanef = lax.broadcasted_iota(jnp.int32, (1, BLK), 1).astype(jnp.float32)
        out_acc = jnp.zeros((1, DQ), jnp.float32)
        cnt_acc = jnp.zeros((1, DQ), jnp.float32)
        for g in range(GRID):
            e = (xt[:, g:g + 1] == v).astype(jnp.float32)
            out_acc = out_acc + lax.dot_general(
                lanef + jnp.float32(g * BLK), e, (((1,), (0,)), ((), ())),
                precision=lax.Precision.HIGHEST)
            cnt_acc = cnt_acc + jnp.sum(e, axis=0, keepdims=True)
        tie = jnp.max(jnp.abs(cnt_acc - 1.0)) > 0.0

        def exact_fallback(_):
            lin = (lax.broadcasted_iota(jnp.int32, (GRID, BLK), 0) * BLK
                   + lax.broadcasted_iota(jnp.int32, (GRID, BLK), 1))
            big = jnp.int32(1 << 30)

            def step(k, carry):
                x, out = carry
                mval = jnp.max(x)
                am = jnp.min(jnp.where(x == mval, lin, big))
                out = jnp.where(lane_k == k, am, out)
                x = jnp.where(lin == am, neg, x)
                return (x, out)

            _, out = lax.fori_loop(0, DQ, step,
                                   (x0, jnp.zeros((1, DQ), jnp.int32)))
            return out

        idx_ref[...] = lax.cond(tie, exact_fallback,
                                lambda _: out_acc.astype(jnp.int32), 0)


def _stream_call(feats, key_feat, Wq, bq2, Wv, bv2, interpret=False):
    return pl.pallas_call(
        _stream_body,
        grid=(GRID,),
        in_specs=[
            pl.BlockSpec((1, D), lambda i: (0, 0)),
            pl.BlockSpec((D, DQ), lambda i: (0, 0)),
            pl.BlockSpec((1, DQ), lambda i: (0, 0)),
            pl.BlockSpec((D, D), lambda i: (0, 0)),
            pl.BlockSpec((1, D), lambda i: (0, 0)),
            pl.BlockSpec((BLK, D), lambda i: (i, 0)),
        ],
        out_specs=[
            pl.BlockSpec((1, D), lambda i: (0, 0)),
            pl.BlockSpec((1, DQ), lambda i: (0, 0)),
        ],
        out_shape=[
            jax.ShapeDtypeStruct((1, D), jnp.float32),
            jax.ShapeDtypeStruct((1, DQ), jnp.int32),
        ],
        scratch_shapes=[
            pltpu.VMEM((1, DQ), jnp.float32),
            pltpu.VMEM((1, 1), jnp.float32),
            pltpu.VMEM((1, D), jnp.float32),
            pltpu.VMEM((GRID, BLK), jnp.float32),
        ],
        compiler_params=pltpu.CompilerParams(
            dimension_semantics=("arbitrary",)),
        interpret=interpret,
    )(key_feat, Wq, bq2, Wv, bv2, feats)


_SC_WORKERS = 16
_ROWS_PER_W = DQ // _SC_WORKERS


def _gather_body(feats_hbm, idx_hbm, out_hbm, idx_v, rows_v, sem):
    wid = lax.axis_index("s") * 2 + lax.axis_index("c")

    @pl.when(wid < _SC_WORKERS)
    def _():
        base = wid * _ROWS_PER_W
        pltpu.sync_copy(idx_hbm.at[pl.ds(base, _ROWS_PER_W)], idx_v)
        pltpu.async_copy(feats_hbm.at[idx_v], rows_v, sem).wait()
        pltpu.sync_copy(rows_v, out_hbm.at[pl.ds(base, _ROWS_PER_W)])


@functools.cache
def _gather():
    return functools.partial(
        pl.kernel,
        mesh=plsc.VectorSubcoreMesh(core_axis_name="c", subcore_axis_name="s"),
        out_type=jax.ShapeDtypeStruct((DQ, D), jnp.float32),
        scratch_types=[
            pltpu.VMEM((_ROWS_PER_W,), jnp.int32),
            pltpu.VMEM((_ROWS_PER_W, D), jnp.float32),
            pltpu.SemaphoreType.DMA,
        ],
    )(_gather_body)


def kernel(feats, key_feat, Wq, bq, Wv, bv, top_k):
    fusion, idx2d = _stream_call(feats, key_feat, Wq, bq.reshape(1, DQ),
                                 Wv, bv.reshape(1, D))
    idx = idx2d.reshape(DQ)
    top_k_features = _gather()(feats, idx)
    return (top_k_features, fusion)

# --- scband reference (transcript-rebuilt; emitter-appended) ---
"""Pipeline reference for scband-non-local-ranking-34488587387149 (READ-ONLY COPY).

The authoritative reference and input builder live on the scoring server;
editing this copy changes nothing except your own understanding.
"""

import jax, jax.numpy as jnp
import numpy as np

IN_FEATURES = 1024
N = 16384
M = 1


def setup_inputs(seed: int = 0) -> dict:
    key = jax.random.key(seed)
    k1, k2, k3, k4, k5, k6 = jax.random.split(key, 6)
    feats = jax.random.normal(k1, (N, IN_FEATURES), dtype=jnp.float32)
    key_feat = jax.random.normal(k2, (M, IN_FEATURES), dtype=jnp.float32)
    lim = 1.0 / np.sqrt(IN_FEATURES)
    Wq = jax.random.uniform(k3, (IN_FEATURES, 128), minval=-lim, maxval=lim, dtype=jnp.float32)
    bq = jax.random.uniform(k4, (128,), minval=-lim, maxval=lim, dtype=jnp.float32)
    Wv = jax.random.uniform(k5, (IN_FEATURES, IN_FEATURES), minval=-lim, maxval=lim, dtype=jnp.float32)
    bv = jax.random.uniform(k6, (IN_FEATURES,), minval=-lim, maxval=lim, dtype=jnp.float32)
    return {"feats": feats, "key_feat": key_feat, "Wq": Wq, "bq": bq, "Wv": Wv, "bv": bv, "top_k": 128}


def reference(feats, key_feat, Wq, bq, Wv, bv, top_k):
    # Q = self.q(feats).view(N, -1)
    Q = (feats @ Wq + bq).reshape(feats.shape[0], -1)
    # q_key = self.q(key_feat)
    q_key = key_feat @ Wq + bq
    # A = Q @ q_key^T  -> [N, M]
    A = Q @ q_key.T
    # softmax over dim 0 with temperature sqrt(d_q)
    A = jax.nn.softmax(A / jnp.sqrt(jnp.asarray(Q.shape[1], dtype=jnp.float32)), axis=0)
    # topk over dim 0: torch.topk(A, k, dim=0) -> indices [k, M]
    k_static = Wq.shape[1]
    _, idx_t = jax.lax.top_k(A.T, k_static)  # [M, k]
    idx_t = idx_t + (top_k - top_k)
    flat_idx = idx_t.T.reshape(-1)  # row-major flatten of [k, M], matches torch.flatten
    top_k_features = jnp.take(feats, flat_idx, axis=0)  # [k*M, in_features]
    # top_fuse=False branch: V = self.v(feats) (dropout_v=0.0 -> identity)
    V = feats @ Wv + bv
    fusion_feature = A.T @ V  # [M, in_features]
    return (top_k_features, fusion_feature)

if __name__ == "__main__":
    import jax
    _d = setup_inputs()
    print(jax.jit(kernel)(*tuple(_d.values())))

</pallas_src>

<mosaic_0001>
#map = affine_map<(d0, d1) -> (0, 0)>
#map1 = affine_map<(d0, d1) -> (0)>
module attributes {stable_mosaic.version = 14 : i64} {
  func.func @_gather_body(%arg0: i32, %arg1: i32, %arg2: memref<16384x1024xf32, #tpu.memory_space<hbm>>, %arg3: memref<128xi32, #tpu.memory_space<hbm>>, %arg4: memref<128x1024xf32, #tpu.memory_space<hbm>>, %arg5: memref<8xi32, #tpu.memory_space<vmem>>, %arg6: memref<8x1024xf32, #tpu.memory_space<vmem>>, %arg7: memref<!tpu.dma_semaphore, #tpu.memory_space<semaphore_mem>>) attributes {dimension_semantics = [#tpu.dimension_semantics<core_parallel>, #tpu.dimension_semantics<subcore_parallel>], iteration_bounds = array<i64: 2, 16>, scalar_prefetch = 0 : i64, scratch_operands = 3 : i64, tpu.core_type = #tpu.core_type<sc_vector_subcore>, window_params = [{transform_indices = #map}, {transform_indices = #map1}, {transform_indices = #map}]} {
    %mul3A = arith.constant 2 : i32
    %mul3A_0 = arith.muli %arg1, %mul3A : i32
    %add3A = arith.addi %mul3A_0, %arg0 : i32
    %lt3A = arith.constant 16 : i32
    %lt3A_1 = arith.cmpi slt, %add3A, %lt3A : i32
    %convert_element_type3A = arith.extui %lt3A_1 : i1 to i32
    %cond3A = arith.constant 0 : i32
    %cond3A_2 = arith.cmpi ne, %convert_element_type3A, %cond3A : i32
    scf.if %cond3A_2 {
      %mul3A_3 = arith.constant 8 : i32
      %mul3A_4 = arith.muli %add3A, %mul3A_3 : i32
      "tpu.region"() ({
        %run_scoped3A = tpu.sem_alloc : memref<!tpu.dma_semaphore, #tpu.memory_space<semaphore_mem>>
        %dma_start3A_9 = tpu.memref_slice %arg3[%mul3A_4] : memref<128xi32, #tpu.memory_space<hbm>> -> memref<8xi32, #tpu.memory_space<hbm>>
        %dma_start3A_10 = tpu.memref_slice %arg3[%mul3A_4] : memref<128xi32, #tpu.memory_space<hbm>> -> memref<8xi32, #tpu.memory_space<hbm>>
        tpu.enqueue_dma source(%dma_start3A_10 : memref<8xi32, #tpu.memory_space<hbm>>) target(%arg5 : memref<8xi32, #tpu.memory_space<vmem>>) target_semaphore(%run_scoped3A : memref<!tpu.dma_semaphore, #tpu.memory_space<semaphore_mem>>)
        %dma_wait3A_11 = tpu.memref_slice %arg3[%mul3A_4] : memref<128xi32, #tpu.memory_space<hbm>> -> memref<8xi32, #tpu.memory_space<hbm>>
        %dma_wait3A_12 = tpu.memref_slice %arg3[%mul3A_4] : memref<128xi32, #tpu.memory_space<hbm>> -> memref<8xi32, #tpu.memory_space<hbm>>
        tpu.wait_dma2 semaphore(%run_scoped3A : memref<!tpu.dma_semaphore, #tpu.memory_space<semaphore_mem>>) src(%dma_wait3A_12 : memref<8xi32, #tpu.memory_space<hbm>>) dst(%arg5 : memref<8xi32, #tpu.memory_space<vmem>>)
        tpu.yield
      }) : () -> ()
      %dma_start3A = arith.constant 0 : i32
      %dma_start3A_5 = arith.constant 0 : i32
      %dma_start3A_6 = tpu.memref_slice %arg2[%dma_start3A, %dma_start3A_5] : memref<16384x1024xf32, #tpu.memory_space<hbm>> -> memref<16384x1024xf32, #tpu.memory_space<hbm>>
      tpu.enqueue_indirect_dma source(%dma_start3A_6 : memref<16384x1024xf32, #tpu.memory_space<hbm>>) target(%arg6 : memref<8x1024xf32, #tpu.memory_space<vmem>>) offsets(%arg5 : memref<8xi32, #tpu.memory_space<vmem>>) semaphore(%arg7 : memref<!tpu.dma_semaphore, #tpu.memory_space<semaphore_mem>>)
      %dma_wait3A = arith.constant 0 : i32
      %dma_wait3A_7 = arith.constant 0 : i32
      %dma_wait3A_8 = tpu.memref_slice %arg2[%dma_wait3A, %dma_wait3A_7] : memref<16384x1024xf32, #tpu.memory_space<hbm>> -> memref<16384x1024xf32, #tpu.memory_space<hbm>>
      tpu.wait_indirect_dma semaphore(%arg7 : memref<!tpu.dma_semaphore, #tpu.memory_space<semaphore_mem>>) src(%dma_wait3A_8 : memref<16384x1024xf32, #tpu.memory_space<hbm>>) dst(%arg6 : memref<8x1024xf32, #tpu.memory_space<vmem>>)
      "tpu.region"() ({
        %run_scoped3A = tpu.sem_alloc : memref<!tpu.dma_semaphore, #tpu.memory_space<semaphore_mem>>
        %dma_start3A_9 = arith.constant 0 : i32
        %dma_start3A_10 = tpu.memref_slice %arg4[%mul3A_4, %dma_start3A_9] : memref<128x1024xf32, #tpu.memory_space<hbm>> -> memref<8x1024xf32, #tpu.memory_space<hbm>>
        %dma_start3A_11 = arith.constant 0 : i32
        %dma_start3A_12 = tpu.memref_slice %arg4[%mul3A_4, %dma_start3A_11] : memref<128x1024xf32, #tpu.memory_space<hbm>> -> memref<8x1024xf32, #tpu.memory_space<hbm>>
        tpu.enqueue_dma source(%arg6 : memref<8x1024xf32, #tpu.memory_space<vmem>>) target(%dma_start3A_12 : memref<8x1024xf32, #tpu.memory_space<hbm>>) target_semaphore(%run_scoped3A : memref<!tpu.dma_semaphore, #tpu.memory_space<semaphore_mem>>)
        %dma_wait3A_13 = arith.constant 0 : i32
        %dma_wait3A_14 = tpu.memref_slice %arg4[%mul3A_4, %dma_wait3A_13] : memref<128x1024xf32, #tpu.memory_space<hbm>> -> memref<8x1024xf32, #tpu.memory_space<hbm>>
        %dma_wait3A_15 = arith.constant 0 : i32
        %dma_wait3A_16 = tpu.memref_slice %arg4[%mul3A_4, %dma_wait3A_15] : memref<128x1024xf32, #tpu.memory_space<hbm>> -> memref<8x1024xf32, #tpu.memory_space<hbm>>
        tpu.wait_dma2 semaphore(%run_scoped3A : memref<!tpu.dma_semaphore, #tpu.memory_space<semaphore_mem>>) src(%arg6 : memref<8x1024xf32, #tpu.memory_space<vmem>>) dst(%dma_wait3A_16 : memref<8x1024xf32, #tpu.memory_space<hbm>>)
        tpu.yield
      }) : () -> ()
    } else {
    }
    return
  }
}

module attributes {stable_mosaic.version = 14 : i64} {
  func.func @_stream_body(%arg0: i32, %arg1: memref<1x1024xf32, #tpu.memory_space<vmem>>, %arg2: memref<1024x128xf32, #tpu.memory_space<vmem>>, %arg3: memref<1x128xf32, #tpu.memory_space<vmem>>, %arg4: memref<1024x1024xf32, #tpu.memory_space<vmem>>, %arg5: memref<1x1024xf32, #tpu.memory_space<vmem>>, %arg6: memref<2048x1024xf32, #tpu.memory_space<vmem>>, %arg7: memref<1x1024xf32, #tpu.memory_space<vmem>>, %arg8: memref<1x128xi32, #tpu.memory_space<vmem>>, %arg9: memref<1x128xf32, #tpu.memory_space<vmem>>, %arg10: memref<1x1xf32, #tpu.memory_space<vmem>>, %arg11: memref<1x1024xf32, #tpu.memory_space<vmem>>, %arg12: memref<8x2048xf32, #tpu.memory_space<vmem>>) attributes {dimension_semantics = [#tpu.dimension_semantics<arbitrary>], iteration_bounds = array<i64: 8>, scalar_prefetch = 0 : i64, scratch_operands = 4 : i64, tpu.core_type = #tpu.core_type<tc>, window_params = [{pipeline_mode = #tpu.pipeline_mode<synchronous>, transform_indices = @transform_0, window_bounds = array<i64: 1, 1024>}, {pipeline_mode = #tpu.pipeline_mode<synchronous>, transform_indices = @transform_1, window_bounds = array<i64: 1024, 128>}, {pipeline_mode = #tpu.pipeline_mode<synchronous>, transform_indices = @transform_2, window_bounds = array<i64: 1, 128>}, {pipeline_mode = #tpu.pipeline_mode<synchronous>, transform_indices = @transform_3, window_bounds = array<i64: 1024, 1024>}, {pipeline_mode = #tpu.pipeline_mode<synchronous>, transform_indices = @transform_4, window_bounds = array<i64: 1, 1024>}, {transform_indices = @transform_5, window_bounds = array<i64: 2048, 1024>}, {pipeline_mode = #tpu.pipeline_mode<synchronous>, transform_indices = @transform_6, window_bounds = array<i64: 1, 1024>}, {pipeline_mode = #tpu.pipeline_mode<synchronous>, transform_indices = @transform_7, window_bounds = array<i64: 1, 128>}]} {
    %eq3A = arith.constant 0 : i32
    %eq3A_0 = arith.cmpi eq, %arg0, %eq3A : i32
    %convert_element_type3A = arith.extui %eq3A_0 : i1 to i32
    %cond3A = arith.constant 0 : i32
    %cond3A_1 = arith.cmpi ne, %convert_element_type3A, %cond3A : i32
    scf.if %cond3A_1 {
      %get3A_140 = arith.constant 0 : index
      %get3A_141 = arith.constant 0 : index
      %get3A_142 = vector.load %arg1[%get3A_140, %get3A_141] : memref<1x1024xf32, #tpu.memory_space<vmem>>, vector<1x1024xf32>
      %get3A_143 = arith.constant 0 : index
      %get3A_144 = arith.constant 0 : index
      %get3A_145 = vector.load %arg2[%get3A_143, %get3A_144] : memref<1024x128xf32, #tpu.memory_space<vmem>>, vector<1024x128xf32>
      %dot_general3A_146 = arith.constant dense<0.000000e+00> : vector<1x128xf32>
      %dot_general3A_147 = tpu.matmul %get3A_142, %get3A_145, %dot_general3A_146 {dimension_numbers = #tpu.dot_dimension_numbers<[1], [0], [0], [1], [0, 0, 1, 1], [], []>, transpose_lhs_hint = false} : vector<1x1024xf32>, vector<1024x128xf32>, vector<1x128xf32> -> vector<1x128xf32>
      %get3A_148 = arith.constant 0 : index
      %get3A_149 = arith.constant 0 : index
      %get3A_150 = vector.load %arg3[%get3A_148, %get3A_149] : memref<1x128xf32, #tpu.memory_space<vmem>>, vector<1x128xf32>
      %add3A_151 = arith.addf %dot_general3A_147, %get3A_150 : vector<1x128xf32>
      %swap3A_152 = arith.constant 0 : index
      %swap3A_153 = arith.constant 0 : index
      %swap3A_154 = vector.load %arg9[%swap3A_152, %swap3A_153] : memref<1x128xf32, #tpu.memory_space<vmem>>, vector<1x128xf32>
      tpu.vector_store %arg9[%swap3A_152, %swap3A_153], %add3A_151 {strides = array<i32>} : memref<1x128xf32, #tpu.memory_space<vmem>>, vector<1x128xf32>,
      %broadcast_in_dim3A = arith.constant 0.000000e+00 : f32
      %broadcast_in_dim3A_155 = vector.broadcast %broadcast_in_dim3A : f32 to vector<1x1xf32>
      %swap3A_156 = arith.constant 0 : index
      %swap3A_157 = arith.constant 0 : index
      %swap3A_158 = vector.load %arg10[%swap3A_156, %swap3A_157] : memref<1x1xf32, #tpu.memory_space<vmem>>, vector<1x1xf32>
      tpu.vector_store %arg10[%swap3A_156, %swap3A_157], %broadcast_in_dim3A_155 {strides = array<i32>} : memref<1x1xf32, #tpu.memory_space<vmem>>, vector<1x1xf32>,
      %broadcast_in_dim3A_159 = arith.constant 0.000000e+00 : f32
      %broadcast_in_dim3A_160 = vector.broadcast %broadcast_in_dim3A_159 : f32 to vector<1x1024xf32>
      %swap3A_161 = arith.constant 0 : index
      %swap3A_162 = arith.constant 0 : index
      %swap3A_163 = vector.load %arg11[%swap3A_161, %swap3A_162] : memref<1x1024xf32, #tpu.memory_space<vmem>>, vector<1x1024xf32>
      tpu.vector_store %arg11[%swap3A_161, %swap3A_162], %broadcast_in_dim3A_160 {strides = array<i32>} : memref<1x1024xf32, #tpu.memory_space<vmem>>, vector<1x1024xf32>,
    } else {
    }
    %get3A = arith.constant 0 : index
    %get3A_2 = arith.constant 0 : index
    %get3A_3 = vector.load %arg9[%get3A, %get3A_2] : memref<1x128xf32, #tpu.memory_space<vmem>>, vector<1x128xf32>
    %get3A_4 = arith.constant 0 : index
    %get3A_5 = arith.constant 0 : index
    %get3A_6 = vector.load %arg6[%get3A_4, %get3A_5] : memref<2048x1024xf32, #tpu.memory_space<vmem>>, vector<512x1024xf32>
    %get3A_7 = arith.constant 512 : index
    %get3A_8 = arith.constant 0 : index
    %get3A_9 = vector.load %arg6[%get3A_7, %get3A_8] : memref<2048x1024xf32, #tpu.memory_space<vmem>>, vector<512x1024xf32>
    %get3A_10 = arith.constant 1024 : index
    %get3A_11 = arith.constant 0 : index
    %get3A_12 = vector.load %arg6[%get3A_10, %get3A_11] : memref<2048x1024xf32, #tpu.memory_space<vmem>>, vector<512x1024xf32>
    %get3A_13 = arith.constant 1536 : index
    %get3A_14 = arith.constant 0 : index
    %get3A_15 = vector.load %arg6[%get3A_13, %get3A_14] : memref<2048x1024xf32, #tpu.memory_space<vmem>>, vector<512x1024xf32>
    %get3A_16 = arith.constant 0 : index
    %get3A_17 = arith.constant 0 : index
    %get3A_18 = vector.load %arg2[%get3A_16, %get3A_17] : memref<1024x128xf32, #tpu.memory_space<vmem>>, vector<1024x128xf32>
    %dot_general3A = arith.constant dense<0.000000e+00> : vector<512x128xf32>
    %dot_general3A_19 = tpu.matmul %get3A_6, %get3A_18, %dot_general3A {dimension_numbers = #tpu.dot_dimension_numbers<[1], [0], [0], [1], [0, 0, 1, 1], [], []>, transpose_lhs_hint = false} : vector<512x1024xf32>, vector<1024x128xf32>, vector<512x128xf32> -> vector<512x128xf32>
    %get3A_20 = arith.constant 0 : index
    %get3A_21 = arith.constant 0 : index
    %get3A_22 = vector.load %arg3[%get3A_20, %get3A_21] : memref<1x128xf32, #tpu.memory_space<vmem>>, vector<1x128xf32>
    %add3A = vector.broadcast %get3A_22 : vector<1x128xf32> to vector<512x128xf32>
    %add3A_23 = arith.addf %dot_general3A_19, %add3A : vector<512x128xf32>
    %get3A_24 = arith.constant 0 : index
    %get3A_25 = arith.constant 0 : index
    %get3A_26 = vector.load %arg2[%get3A_24, %get3A_25] : memref<1024x128xf32, #tpu.memory_space<vmem>>, vector<1024x128xf32>
    %dot_general3A_27 = arith.constant dense<0.000000e+00> : vector<512x128xf32>
    %dot_general3A_28 = tpu.matmul %get3A_9, %get3A_26, %dot_general3A_27 {dimension_numbers = #tpu.dot_dimension_numbers<[1], [0], [0], [1], [0, 0, 1, 1], [], []>, transpose_lhs_hint = false} : vector<512x1024xf32>, vector<1024x128xf32>, vector<512x128xf32> -> vector<512x128xf32>
    %get3A_29 = arith.constant 0 : index
    %get3A_30 = arith.constant 0 : index
    %get3A_31 = vector.load %arg3[%get3A_29, %get3A_30] : memref<1x128xf32, #tpu.memory_space<vmem>>, vector<1x128xf32>
    %add3A_32 = vector.broadcast %get3A_31 : vector<1x128xf32> to vector<512x128xf32>
    %add3A_33 = arith.addf %dot_general3A_28, %add3A_32 : vector<512x128xf32>
    %get3A_34 = arith.constant 0 : index
    %get3A_35 = arith.constant 0 : index
    %get3A_36 = vector.load %arg2[%get3A_34, %get3A_35] : memref<1024x128xf32, #tpu.memory_space<vmem>>, vector<1024x128xf32>
    %dot_general3A_37 = arith.constant dense<0.000000e+00> : vector<512x128xf32>
    %dot_general3A_38 = tpu.matmul %get3A_12, %get3A_36, %dot_general3A_37 {dimension_numbers = #tpu.dot_dimension_numbers<[1], [0], [0], [1], [0, 0, 1, 1], [], []>, transpose_lhs_hint = false} : vector<512x1024xf32>, vector<1024x128xf32>, vector<512x128xf32> -> vector<512x128xf32>
    %get3A_39 = arith.constant 0 : index
    %get3A_40 = arith.constant 0 : index
    %get3A_41 = vector.load %arg3[%get3A_39, %get3A_40] : memref<1x128xf32, #tpu.memory_space<vmem>>, vector<1x128xf32>
    %add3A_42 = vector.broadcast %get3A_41 : vector<1x128xf32> to vector<512x128xf32>
    %add3A_43 = arith.addf %dot_general3A_38, %add3A_42 : vector<512x128xf32>
    %get3A_44 = arith.constant 0 : index
    %get3A_45 = arith.constant 0 : index
    %get3A_46 = vector.load %arg2[%get3A_44, %get3A_45] : memref<1024x128xf32, #tpu.memory_space<vmem>>, vector<1024x128xf32>
    %dot_general3A_47 = arith.constant dense<0.000000e+00> : vector<512x128xf32>
    %dot_general3A_48 = tpu.matmul %get3A_15, %get3A_46, %dot_general3A_47 {dimension_numbers = #tpu.dot_dimension_numbers<[1], [0], [0], [1], [0, 0, 1, 1], [], []>, transpose_lhs_hint = false} : vector<512x1024xf32>, vector<1024x128xf32>, vector<512x128xf32> -> vector<512x128xf32>
    %get3A_49 = arith.constant 0 : index
    %get3A_50 = arith.constant 0 : index
    %get3A_51 = vector.load %arg3[%get3A_49, %get3A_50] : memref<1x128xf32, #tpu.memory_space<vmem>>, vector<1x128xf32>
    %add3A_52 = vector.broadcast %get3A_51 : vector<1x128xf32> to vector<512x128xf32>
    %add3A_53 = arith.addf %dot_general3A_48, %add3A_52 : vector<512x128xf32>
    %dot_general3A_54 = arith.constant dense<0.000000e+00> : vector<1x512xf32>
    %dot_general3A_55 = tpu.matmul %get3A_3, %add3A_23, %dot_general3A_54 {dimension_numbers = #tpu.dot_dimension_numbers<[1], [1], [0], [0], [0, 0, 1, 0], [], []>, transpose_lhs_hint = false} : vector<1x128xf32>, vector<512x128xf32>, vector<1x512xf32> -> vector<1x512xf32>
    %dot_general3A_56 = arith.constant dense<0.000000e+00> : vector<1x512xf32>
    %dot_general3A_57 = tpu.matmul %get3A_3, %add3A_33, %dot_general3A_56 {dimension_numbers = #tpu.dot_dimension_numbers<[1], [1], [0], [0], [0, 0, 1, 0], [], []>, transpose_lhs_hint = false} : vector<1x128xf32>, vector<512x128xf32>, vector<1x512xf32> -> vector<1x512xf32>
    %dot_general3A_58 = arith.constant dense<0.000000e+00> : vector<1x512xf32>
    %dot_general3A_59 = tpu.matmul %get3A_3, %add3A_43, %dot_general3A_58 {dimension_numbers = #tpu.dot_dimension_numbers<[1], [1], [0], [0], [0, 0, 1, 0], [], []>, transpose_lhs_hint = false} : vector<1x128xf32>, vector<512x128xf32>, vector<1x512xf32> -> vector<1x512xf32>
    %dot_general3A_60 = arith.constant dense<0.000000e+00> : vector<1x512xf32>
    %dot_general3A_61 = tpu.matmul %get3A_3, %add3A_53, %dot_general3A_60 {dimension_numbers = #tpu.dot_dimension_numbers<[1], [1], [0], [0], [0, 0, 1, 0], [], []>, transpose_lhs_hint = false} : vector<1x128xf32>, vector<512x128xf32>, vector<1x512xf32> -> vector<1x512xf32>
    %swap3A = arith.index_cast %arg0 : i32 to index
    %swap3A_62 = arith.constant 0 : index
    %swap3A_63 = vector.load %arg12[%swap3A, %swap3A_62] : memref<8x2048xf32, #tpu.memory_space<vmem>>, vector<1x512xf32>
    tpu.vector_store %arg12[%swap3A, %swap3A_62], %dot_general3A_55 {strides = array<i32>} : memref<8x2048xf32, #tpu.memory_space<vmem>>, vector<1x512xf32>,
    %swap3A_64 = arith.index_cast %arg0 : i32 to index
    %swap3A_65 = arith.constant 512 : index
    %swap3A_66 = vector.load %arg12[%swap3A_64, %swap3A_65] : memref<8x2048xf32, #tpu.memory_space<vmem>>, vector<1x512xf32>
    tpu.vector_store %arg12[%swap3A_64, %swap3A_65], %dot_general3A_57 {strides = array<i32>} : memref<8x2048xf32, #tpu.memory_space<vmem>>, vector<1x512xf32>,
    %swap3A_67 = arith.index_cast %arg0 : i32 to index
    %swap3A_68 = arith.constant 1024 : index
    %swap3A_69 = vector.load %arg12[%swap3A_67, %swap3A_68] : memref<8x2048xf32, #tpu.memory_space<vmem>>, vector<1x512xf32>
    tpu.vector_store %arg12[%swap3A_67, %swap3A_68], %dot_general3A_59 {strides = array<i32>} : memref<8x2048xf32, #tpu.memory_space<vmem>>, vector<1x512xf32>,
    %swap3A_70 = arith.index_cast %arg0 : i32 to index
    %swap3A_71 = arith.constant 1536 : index
    %swap3A_72 = vector.load %arg12[%swap3A_70, %swap3A_71] : memref<8x2048xf32, #tpu.memory_space<vmem>>, vector<1x512xf32>
    tpu.vector_store %arg12[%swap3A_70, %swap3A_71], %dot_general3A_61 {strides = array<i32>} : memref<8x2048xf32, #tpu.memory_space<vmem>>, vector<1x512xf32>,
    %mul3A = arith.constant 0.0883883461 : f32
    %mul3A_73 = vector.broadcast %mul3A : f32 to vector<1x512xf32>
    %mul3A_74 = arith.mulf %dot_general3A_55, %mul3A_73 : vector<1x512xf32>
    %exp3A = math.exp %mul3A_74 : vector<1x512xf32>
    %mul3A_75 = arith.constant 0.0883883461 : f32
    %mul3A_76 = vector.broadcast %mul3A_75 : f32 to vector<1x512xf32>
    %mul3A_77 = arith.mulf %dot_general3A_57, %mul3A_76 : vector<1x512xf32>
    %exp3A_78 = math.exp %mul3A_77 : vector<1x512xf32>
    %mul3A_79 = arith.constant 0.0883883461 : f32
    %mul3A_80 = vector.broadcast %mul3A_79 : f32 to vector<1x512xf32>
    %mul3A_81 = arith.mulf %dot_general3A_59, %mul3A_80 : vector<1x512xf32>
    %exp3A_82 = math.exp %mul3A_81 : vector<1x512xf32>
    %mul3A_83 = arith.constant 0.0883883461 : f32
    %mul3A_84 = vector.broadcast %mul3A_83 : f32 to vector<1x512xf32>
    %mul3A_85 = arith.mulf %dot_general3A_61, %mul3A_84 : vector<1x512xf32>
    %exp3A_86 = math.exp %mul3A_85 : vector<1x512xf32>
    %get3A_87 = arith.constant 0 : index
    %get3A_88 = arith.constant 0 : index
    %get3A_89 = vector.load %arg10[%get3A_87, %get3A_88] : memref<1x1xf32, #tpu.memory_space<vmem>>, vector<1x1xf32>
    %reduce_sum3A = vector.shape_cast %exp3A : vector<1x512xf32> to vector<1x1x512xf32>
    %reduce_sum3A_90 = arith.constant dense<0.000000e+00> : vector<1xf32>
    %reduce_sum3A_91 = vector.multi_reduction <add>, %reduce_sum3A, %reduce_sum3A_90 [1, 2] : vector<1x1x512xf32> to vector<1xf32>
    %reduce_sum3A_92 = vector.shape_cast %reduce_sum3A_91 : vector<1xf32> to vector<1x1x1xf32>
    %reduce_sum3A_93 = vector.extract %reduce_sum3A_92[0, 0, 0] : f32 from vector<1x1x1xf32>
    %reduce_sum3A_94 = vector.shape_cast %exp3A_78 : vector<1x512xf32> to vector<1x1x512xf32>
    %reduce_sum3A_95 = arith.constant dense<0.000000e+00> : vector<1xf32>
    %reduce_sum3A_96 = vector.multi_reduction <add>, %reduce_sum3A_94, %reduce_sum3A_95 [1, 2] : vector<1x1x512xf32> to vector<1xf32>
    %reduce_sum3A_97 = vector.shape_cast %reduce_sum3A_96 : vector<1xf32> to vector<1x1x1xf32>
    %reduce_sum3A_98 = vector.extract %reduce_sum3A_97[0, 0, 0] : f32 from vector<1x1x1xf32>
    %add3A_99 = arith.addf %reduce_sum3A_93, %reduce_sum3A_98 : f32
    %reduce_sum3A_100 = vector.shape_cast %exp3A_82 : vector<1x512xf32> to vector<1x1x512xf32>
    %reduce_sum3A_101 = arith.constant dense<0.000000e+00> : vector<1xf32>
    %reduce_sum3A_102 = vector.multi_reduction <add>, %reduce_sum3A_100, %reduce_sum3A_101 [1, 2] : vector<1x1x512xf32> to vector<1xf32>
    %reduce_sum3A_103 = vector.shape_cast %reduce_sum3A_102 : vector<1xf32> to vector<1x1x1xf32>
    %reduce_sum3A_104 = vector.extract %reduce_sum3A_103[0, 0, 0] : f32 from vector<1x1x1xf32>
    %reduce_sum3A_105 = vector.shape_cast %exp3A_86 : vector<1x512xf32> to vector<1x1x512xf32>
    %reduce_sum3A_106 = arith.constant dense<0.000000e+00> : vector<1xf32>
    %reduce_sum3A_107 = vector.multi_reduction <add>, %reduce_sum3A_105, %reduce_sum3A_106 [1, 2] : vector<1x1x512xf32> to vector<1xf32>
    %reduce_sum3A_108 = vector.shape_cast %reduce_sum3A_107 : vector<1xf32> to vector<1x1x1xf32>
    %reduce_sum3A_109 = vector.extract %reduce_sum3A_108[0, 0, 0] : f32 from vector<1x1x1xf32>
    %add3A_110 = arith.addf %reduce_sum3A_104, %reduce_sum3A_109 : f32
    %add3A_111 = arith.addf %add3A_99, %add3A_110 : f32
    %add3A_112 = vector.broadcast %add3A_111 : f32 to vector<1x1xf32>
    %add3A_113 = arith.addf %get3A_89, %add3A_112 : vector<1x1xf32>
    %swap3A_114 = arith.constant 0 : index
    %swap3A_115 = arith.constant 0 : index
    %swap3A_116 = vector.load %arg10[%swap3A_114, %swap3A_115] : memref<1x1xf32, #tpu.memory_space<vmem>>, vector<1x1xf32>
    tpu.vector_store %arg10[%swap3A_114, %swap3A_115], %add3A_113 {strides = array<i32>} : memref<1x1xf32, #tpu.memory_space<vmem>>, vector<1x1xf32>,
    %dot_general3A_117 = arith.constant dense<0.000000e+00> : vector<1x1024xf32>
    %dot_general3A_118 = tpu.matmul %exp3A, %get3A_6, %dot_general3A_117 {dimension_numbers = #tpu.dot_dimension_numbers<[1], [0], [0], [1], [0, 0, 1, 1], [], []>, transpose_lhs_hint = false} : vector<1x512xf32>, vector<512x1024xf32>, vector<1x1024xf32> -> vector<1x1024xf32>
    %dot_general3A_119 = arith.constant dense<0.000000e+00> : vector<1x1024xf32>
    %dot_general3A_120 = tpu.matmul %exp3A_78, %get3A_9, %dot_general3A_119 {dimension_numbers = #tpu.dot_dimension_numbers<[1], [0], [0], [1], [0, 0, 1, 1], [], []>, transpose_lhs_hint = false} : vector<1x512xf32>, vector<512x1024xf32>, vector<1x1024xf32> -> vector<1x1024xf32>
    %dot_general3A_121 = arith.constant dense<0.000000e+00> : vector<1x1024xf32>
    %dot_general3A_122 = tpu.matmul %exp3A_82, %get3A_12, %dot_general3A_121 {dimension_numbers = #tpu.dot_dimension_numbers<[1], [0], [0], [1], [0, 0, 1, 1], [], []>, transpose_lhs_hint = false} : vector<1x512xf32>, vector<512x1024xf32>, vector<1x1024xf32> -> vector<1x1024xf32>
    %dot_general3A_123 = arith.constant dense<0.000000e+00> : vector<1x1024xf32>
    %dot_general3A_124 = tpu.matmul %exp3A_86, %get3A_15, %dot_general3A_123 {dimension_numbers = #tpu.dot_dimension_numbers<[1], [0], [0], [1], [0, 0, 1, 1], [], []>, transpose_lhs_hint = false} : vector<1x512xf32>, vector<512x1024xf32>, vector<1x1024xf32> -> vector<1x1024xf32>
    %get3A_125 = arith.constant 0 : index
    %get3A_126 = arith.constant 0 : index
    %get3A_127 = vector.load %arg11[%get3A_125, %get3A_126] : memref<1x1024xf32, #tpu.memory_space<vmem>>, vector<1x1024xf32>
    %add3A_128 = arith.addf %dot_general3A_118, %dot_general3A_120 : vector<1x1024xf32>
    %add3A_129 = arith.addf %dot_general3A_122, %dot_general3A_124 : vector<1x1024xf32>
    %add3A_130 = arith.addf %add3A_128, %add3A_129 : vector<1x1024xf32>
    %add3A_131 = arith.addf %get3A_127, %add3A_130 : vector<1x1024xf32>
    %swap3A_132 = arith.constant 0 : index
    %swap3A_133 = arith.constant 0 : index
    %swap3A_134 = vector.load %arg11[%swap3A_132, %swap3A_133] : memref<1x1024xf32, #tpu.memory_space<vmem>>, vector<1x1024xf32>
    tpu.vector_store %arg11[%swap3A_132, %swap3A_133], %add3A_131 {strides = array<i32>} : memref<1x1024xf32, #tpu.memory_space<vmem>>, vector<1x1024xf32>,
    %eq3A_135 = arith.constant 7 : i32
    %eq3A_136 = arith.cmpi eq, %arg0, %eq3A_135 : i32
    %convert_element_type3A_137 = arith.extui %eq3A_136 : i1 to i32
    %cond3A_138 = arith.constant 0 : i32
    %cond3A_139 = arith.cmpi ne, %convert_element_type3A_137, %cond3A_138 : i32
    scf.if %cond3A_139 {
      %get3A_140 = arith.constant 0 : index
      %get3A_141 = arith.constant 0 : index
      %get3A_142 = vector.load %arg11[%get3A_140, %get3A_141] : memref<1x1024xf32, #tpu.memory_space<vmem>>, vector<1x1024xf32>
      %get3A_143 = arith.constant 0 : index
      %get3A_144 = arith.constant 0 : index
      %get3A_145 = vector.load %arg10[%get3A_143, %get3A_144] : memref<1x1xf32, #tpu.memory_space<vmem>>, vector<1x1xf32>
      %div3A = vector.broadcast %get3A_145 : vector<1x1xf32> to vector<1x1024xf32>
      %div3A_146 = arith.divf %get3A_142, %div3A : vector<1x1024xf32>
      %get3A_147 = arith.constant 0 : index
      %get3A_148 = arith.constant 0 : index
      %get3A_149 = vector.load %arg4[%get3A_147, %get3A_148] : memref<1024x1024xf32, #tpu.memory_space<vmem>>, vector<1024x1024xf32>
      %dot_general3A_150 = arith.constant dense<0.000000e+00> : vector<1x1024xf32>
      %dot_general3A_151 = tpu.matmul %div3A_146, %get3A_149, %dot_general3A_150 {dimension_numbers = #tpu.dot_dimension_numbers<[1], [0], [0], [1], [0, 0, 1, 1], [], []>, transpose_lhs_hint = false} : vector<1x1024xf32>, vector<1024x1024xf32>, vector<1x1024xf32> -> vector<1x1024xf32>
      %get3A_152 = arith.constant 0 : index
      %get3A_153 = arith.constant 0 : index
      %get3A_154 = vector.load %arg5[%get3A_152, %get3A_153] : memref<1x1024xf32, #tpu.memory_space<vmem>>, vector<1x1024xf32>
      %add3A_155 = arith.addf %dot_general3A_151, %get3A_154 : vector<1x1024xf32>
      %swap3A_156 = arith.constant 0 : index
      %swap3A_157 = arith.constant 0 : index
      %swap3A_158 = vector.load %arg7[%swap3A_156, %swap3A_157] : memref<1x1024xf32, #tpu.memory_space<vmem>>, vector<1x1024xf32>
      tpu.vector_store %arg7[%swap3A_156, %swap3A_157], %add3A_155 {strides = array<i32>} : memref<1x1024xf32, #tpu.memory_space<vmem>>, vector<1x1024xf32>,
      %get3A_159 = arith.constant 0 : index
      %get3A_160 = arith.constant 0 : index
      %get3A_161 = vector.load %arg12[%get3A_159, %get3A_160] : memref<8x2048xf32, #tpu.memory_space<vmem>>, vector<8x2048xf32>
      %iota3A = tpu.iota {dimensions = array<i32: 1>} : vector<1x128xi32>
      %broadcast_in_dim3A = arith.constant 0xFF800000 : f32
      %broadcast_in_dim3A_162 = vector.broadcast %broadcast_in_dim3A : f32 to vector<1x128xf32>
      %scan3A = arith.constant 0xFF800000 : f32
      %scan3A_163 = arith.constant 0 : i32
      %scan3A_164 = arith.constant 128 : i32
      %scan3A_165 = arith.addi %scan3A_163, %scan3A_164 : i32
      %scan3A_166 = arith.constant 16 : i32
      %scan3A_167:2 = scf.for %scan3A_317 = %scan3A_163 to %scan3A_165 step %scan3A_166 iter_args(%scan3A_318 = %get3A_161, %scan3A_319 = %broadcast_in_dim3A_162) -> (vector<8x2048xf32>, vector<1x128xf32>)  : i32 {
        %reduce_max3A_320 = vector.shape_cast %scan3A_318 : vector<8x2048xf32> to vector<1x8x2048xf32>
        %reduce_max3A_321 = arith.constant dense<0xFF800000> : vector<1xf32>
        %reduce_max3A_322 = vector.multi_reduction <maximumf>, %reduce_max3A_320, %reduce_max3A_321 [1, 2] : vector<1x8x2048xf32> to vector<1xf32>
        %reduce_max3A_323 = vector.shape_cast %reduce_max3A_322 : vector<1xf32> to vector<1x1x1xf32>
        %reduce_max3A_324 = vector.extract %reduce_max3A_323[0, 0, 0] : f32 from vector<1x1x1xf32>
        %eq3A_325 = vector.broadcast %scan3A_317 : i32 to vector<1x128xi32>
        %eq3A_326 = arith.cmpi eq, %iota3A, %eq3A_325 : vector<1x128xi32>
        %broadcast_in_dim3A_327 = vector.broadcast %reduce_max3A_324 : f32 to vector<1x128xf32>
        %select_n3A = arith.select %eq3A_326, %broadcast_in_dim3A_327, %scan3A_319 : vector<1x128xi1>, vector<1x128xf32>
        %eq3A_328 = vector.broadcast %reduce_max3A_324 : f32 to vector<8x2048xf32>
        %eq3A_329 = arith.cmpf oeq, %scan3A_318, %eq3A_328 : vector<8x2048xf32>
        %broadcast_in_dim3A_330 = vector.broadcast %scan3A : f32 to vector<8x2048xf32>
        %select_n3A_331 = arith.select %eq3A_329, %broadcast_in_dim3A_330, %scan3A_318 : vector<8x2048xi1>, vector<8x2048xf32>
        %scan3A_332 = arith.constant 1 : i32
        %scan3A_333 = arith.addi %scan3A_317, %scan3A_332 : i32
        %reduce_max3A_334 = vector.shape_cast %select_n3A_331 : vector<8x2048xf32> to vector<1x8x2048xf32>
        %reduce_max3A_335 = arith.constant dense<0xFF800000> : vector<1xf32>
        %reduce_max3A_336 = vector.multi_reduction <maximumf>, %reduce_max3A_334, %reduce_max3A_335 [1, 2] : vector<1x8x2048xf32> to vector<1xf32>
        %reduce_max3A_337 = vector.shape_cast %reduce_max3A_336 : vector<1xf32> to vector<1x1x1xf32>
        %reduce_max3A_338 = vector.extract %reduce_max3A_337[0, 0, 0] : f32 from vector<1x1x1xf32>
        %eq3A_339 = vector.broadcast %scan3A_333 : i32 to vector<1x128xi32>
        %eq3A_340 = arith.cmpi eq, %iota3A, %eq3A_339 : vector<1x128xi32>
        %broadcast_in_dim3A_341 = vector.broadcast %reduce_max3A_338 : f32 to vector<1x128xf32>
        %select_n3A_342 = arith.select %eq3A_340, %broadcast_in_dim3A_341, %select_n3A : vector<1x128xi1>, vector<1x128xf32>
        %eq3A_343 = vector.broadcast %reduce_max3A_338 : f32 to vector<8x2048xf32>
        %eq3A_344 = arith.cmpf oeq, %select_n3A_331, %eq3A_343 : vector<8x2048xf32>
        %broadcast_in_dim3A_345 = vector.broadcast %scan3A : f32 to vector<8x2048xf32>
        %select_n3A_346 = arith.select %eq3A_344, %broadcast_in_dim3A_345, %select_n3A_331 : vector<8x2048xi1>, vector<8x2048xf32>
        %scan3A_347 = arith.constant 2 : i32
        %scan3A_348 = arith.addi %scan3A_317, %scan3A_347 : i32
        %reduce_max3A_349 = vector.shape_cast %select_n3A_346 : vector<8x2048xf32> to vector<1x8x2048xf32>
        %reduce_max3A_350 = arith.constant dense<0xFF800000> : vector<1xf32>
        %reduce_max3A_351 = vector.multi_reduction <maximumf>, %reduce_max3A_349, %reduce_max3A_350 [1, 2] : vector<1x8x2048xf32> to vector<1xf32>
        %reduce_max3A_352 = vector.shape_cast %reduce_max3A_351 : vector<1xf32> to vector<1x1x1xf32>
        %reduce_max3A_353 = vector.extract %reduce_max3A_352[0, 0, 0] : f32 from vector<1x1x1xf32>
        %eq3A_354 = vector.broadcast %scan3A_348 : i32 to vector<1x128xi32>
        %eq3A_355 = arith.cmpi eq, %iota3A, %eq3A_354 : vector<1x128xi32>
        %broadcast_in_dim3A_356 = vector.broadcast %reduce_max3A_353 : f32 to vector<1x128xf32>
        %select_n3A_357 = arith.select %eq3A_355, %broadcast_in_dim3A_356, %select_n3A_342 : vector<1x128xi1>, vector<1x128xf32>
        %eq3A_358 = vector.broadcast %reduce_max3A_353 : f32 to vector<8x2048xf32>
        %eq3A_359 = arith.cmpf oeq, %select_n3A_346, %eq3A_358 : vector<8x2048xf32>
        %broadcast_in_dim3A_360 = vector.broadcast %scan3A : f32 to vector<8x2048xf32>
        %select_n3A_361 = arith.select %eq3A_359, %broadcast_in_dim3A_360, %select_n3A_346 : vector<8x2048xi1>, vector<8x2048xf32>
        %scan3A_362 = arith.constant 3 : i32
        %scan3A_363 = arith.addi %scan3A_317, %scan3A_362 : i32
        %reduce_max3A_364 = vector.shape_cast %select_n3A_361 : vector<8x2048xf32> to vector<1x8x2048xf32>
        %reduce_max3A_365 = arith.constant dense<0xFF800000> : vector<1xf32>
        %reduce_max3A_366 = vector.multi_reduction <maximumf>, %reduce_max3A_364, %reduce_max3A_365 [1, 2] : vector<1x8x2048xf32> to vector<1xf32>
        %reduce_max3A_367 = vector.shape_cast %reduce_max3A_366 : vector<1xf32> to vector<1x1x1xf32>
        %reduce_max3A_368 = vector.extract %reduce_max3A_367[0, 0, 0] : f32 from vector<1x1x1xf32>
        %eq3A_369 = vector.broadcast %scan3A_363 : i32 to vector<1x128xi32>
        %eq3A_370 = arith.cmpi eq, %iota3A, %eq3A_369 : vector<1x128xi32>
        %broadcast_in_dim3A_371 = vector.broadcast %reduce_max3A_368 : f32 to vector<1x128xf32>
        %select_n3A_372 = arith.select %eq3A_370, %broadcast_in_dim3A_371, %select_n3A_357 : vector<1x128xi1>, vector<1x128xf32>
        %eq3A_373 = vector.broadcast %reduce_max3A_368 : f32 to vector<8x2048xf32>
        %eq3A_374 = arith.cmpf oeq, %select_n3A_361, %eq3A_373 : vector<8x2048xf32>
        %broadcast_in_dim3A_375 = vector.broadcast %scan3A : f32 to vector<8x2048xf32>
        %select_n3A_376 = arith.select %eq3A_374, %broadcast_in_dim3A_375, %select_n3A_361 : vector<8x2048xi1>, vector<8x2048xf32>
        %scan3A_377 = arith.constant 4 : i32
        %scan3A_378 = arith.addi %scan3A_317, %scan3A_377 : i32
        %reduce_max3A_379 = vector.shape_cast %select_n3A_376 : vector<8x2048xf32> to vector<1x8x2048xf32>
        %reduce_max3A_380 = arith.constant dense<0xFF800000> : vector<1xf32>
        %reduce_max3A_381 = vector.multi_reduction <maximumf>, %reduce_max3A_379, %reduce_max3A_380 [1, 2] : vector<1x8x2048xf32> to vector<1xf32>
        %reduce_max3A_382 = vector.shape_cast %reduce_max3A_381 : vector<1xf32> to vector<1x1x1xf32>
        %reduce_max3A_383 = vector.extract %reduce_max3A_382[0, 0, 0] : f32 from vector<1x1x1xf32>
        %eq3A_384 = vector.broadcast %scan3A_378 : i32 to vector<1x128xi32>
        %eq3A_385 = arith.cmpi eq, %iota3A, %eq3A_384 : vector<1x128xi32>
        %broadcast_in_dim3A_386 = vector.broadcast %reduce_max3A_383 : f32 to vector<1x128xf32>
        %select_n3A_387 = arith.select %eq3A_385, %broadcast_in_dim3A_386, %select_n3A_372 : vector<1x128xi1>, vector<1x128xf32>
        %eq3A_388 = vector.broadcast %reduce_max3A_383 : f32 to vector<8x2048xf32>
        %eq3A_389 = arith.cmpf oeq, %select_n3A_376, %eq3A_388 : vector<8x2048xf32>
        %broadcast_in_dim3A_390 = vector.broadcast %scan3A : f32 to vector<8x2048xf32>
        %select_n3A_391 = arith.select %eq3A_389, %broadcast_in_dim3A_390, %select_n3A_376 : vector<8x2048xi1>, vector<8x2048xf32>
        %scan3A_392 = arith.constant 5 : i32
        %scan3A_393 = arith.addi %scan3A_317, %scan3A_392 : i32
        %reduce_max3A_394 = vector.shape_cast %select_n3A_391 : vector<8x2048xf32> to vector<1x8x2048xf32>
        %reduce_max3A_395 = arith.constant dense<0xFF800000> : vector<1xf32>
        %reduce_max3A_396 = vector.multi_reduction <maximumf>, %reduce_max3A_394, %reduce_max3A_395 [1, 2] : vector<1x8x2048xf32> to vector<1xf32>
        %reduce_max3A_397 = vector.shape_cast %reduce_max3A_396 : vector<1xf32> to vector<1x1x1xf32>
        %reduce_max3A_398 = vector.extract %reduce_max3A_397[0, 0, 0] : f32 from vector<1x1x1xf32>
        %eq3A_399 = vector.broadcast %scan3A_393 : i32 to vector<1x128xi32>
        %eq3A_400 = arith.cmpi eq, %iota3A, %eq3A_399 : vector<1x128xi32>
        %broadcast_in_dim3A_401 = vector.broadcast %reduce_max3A_398 : f32 to vector<1x128xf32>
        %select_n3A_402 = arith.select %eq3A_400, %broadcast_in_dim3A_401, %select_n3A_387 : vector<1x128xi1>, vector<1x128xf32>
        %eq3A_403 = vector.broadcast %reduce_max3A_398 : f32 to vector<8x2048xf32>
        %eq3A_404 = arith.cmpf oeq, %select_n3A_391, %eq3A_403 : vector<8x2048xf32>
        %broadcast_in_dim3A_405 = vector.broadcast %scan3A : f32 to vector<8x2048xf32>
        %select_n3A_406 = arith.select %eq3A_404, %broadcast_in_dim3A_405, %select_n3A_391 : vector<8x2048xi1>, vector<8x2048xf32>
        %scan3A_407 = arith.constant 6 : i32
        %scan3A_408 = arith.addi %scan3A_317, %scan3A_407 : i32
        %reduce_max3A_409 = vector.shape_cast %select_n3A_406 : vector<8x2048xf32> to vector<1x8x2048xf32>
        %reduce_max3A_410 = arith.constant dense<0xFF800000> : vector<1xf32>
        %reduce_max3A_411 = vector.multi_reduction <maximumf>, %reduce_max3A_409, %reduce_max3A_410 [1, 2] : vector<1x8x2048xf32> to vector<1xf32>
        %reduce_max3A_412 = vector.shape_cast %reduce_max3A_411 : vector<1xf32> to vector<1x1x1xf32>
        %reduce_max3A_413 = vector.extract %reduce_max3A_412[0, 0, 0] : f32 from vector<1x1x1xf32>
        %eq3A_414 = vector.broadcast %scan3A_408 : i32 to vector<1x128xi32>
        %eq3A_415 = arith.cmpi eq, %iota3A, %eq3A_414 : vector<1x128xi32>
        %broadcast_in_dim3A_416 = vector.broadcast %reduce_max3A_413 : f32 to vector<1x128xf32>
        %select_n3A_417 = arith.select %eq3A_415, %broadcast_in_dim3A_416, %select_n3A_402 : vector<1x128xi1>, vector<1x128xf32>
        %eq3A_418 = vector.broadcast %reduce_max3A_413 : f32 to vector<8x2048xf32>
        %eq3A_419 = arith.cmpf oeq, %select_n3A_406, %eq3A_418 : vector<8x2048xf32>
        %broadcast_in_dim3A_420 = vector.broadcast %scan3A : f32 to vector<8x2048xf32>
        %select_n3A_421 = arith.select %eq3A_419, %broadcast_in_dim3A_420, %select_n3A_406 : vector<8x2048xi1>, vector<8x2048xf32>
        %scan3A_422 = arith.constant 7 : i32
        %scan3A_423 = arith.addi %scan3A_317, %scan3A_422 : i32
        %reduce_max3A_424 = vector.shape_cast %select_n3A_421 : vector<8x2048xf32> to vector<1x8x2048xf32>
        %reduce_max3A_425 = arith.constant dense<0xFF800000> : vector<1xf32>
        %reduce_max3A_426 = vector.multi_reduction <maximumf>, %reduce_max3A_424, %reduce_max3A_425 [1, 2] : vector<1x8x2048xf32> to vector<1xf32>
        %reduce_max3A_427 = vector.shape_cast %reduce_max3A_426 : vector<1xf32> to vector<1x1x1xf32>
        %reduce_max3A_428 = vector.extract %reduce_max3A_427[0, 0, 0] : f32 from vector<1x1x1xf32>
        %eq3A_429 = vector.broadcast %scan3A_423 : i32 to vector<1x128xi32>
        %eq3A_430 = arith.cmpi eq, %iota3A, %eq3A_429 : vector<1x128xi32>
        %broadcast_in_dim3A_431 = vector.broadcast %reduce_max3A_428 : f32 to vector<1x128xf32>
        %select_n3A_432 = arith.select %eq3A_430, %broadcast_in_dim3A_431, %select_n3A_417 : vector<1x128xi1>, vector<1x128xf32>
        %eq3A_433 = vector.broadcast %reduce_max3A_428 : f32 to vector<8x2048xf32>
        %eq3A_434 = arith.cmpf oeq, %select_n3A_421, %eq3A_433 : vector<8x2048xf32>
        %broadcast_in_dim3A_435 = vector.broadcast %scan3A : f32 to vector<8x2048xf32>
        %select_n3A_436 = arith.select %eq3A_434, %broadcast_in_dim3A_435, %select_n3A_421 : vector<8x2048xi1>, vector<8x2048xf32>
        %scan3A_437 = arith.constant 8 : i32
        %scan3A_438 = arith.addi %scan3A_317, %scan3A_437 : i32
        %reduce_max3A_439 = vector.shape_cast %select_n3A_436 : vector<8x2048xf32> to vector<1x8x2048xf32>
        %reduce_max3A_440 = arith.constant dense<0xFF800000> : vector<1xf32>
        %reduce_max3A_441 = vector.multi_reduction <maximumf>, %reduce_max3A_439, %reduce_max3A_440 [1, 2] : vector<1x8x2048xf32> to vector<1xf32>
        %reduce_max3A_442 = vector.shape_cast %reduce_max3A_441 : vector<1xf32> to vector<1x1x1xf32>
        %reduce_max3A_443 = vector.extract %reduce_max3A_442[0, 0, 0] : f32 from vector<1x1x1xf32>
        %eq3A_444 = vector.broadcast %scan3A_438 : i32 to vector<1x128xi32>
        %eq3A_445 = arith.cmpi eq, %iota3A, %eq3A_444 : vector<1x128xi32>
        %broadcast_in_dim3A_446 = vector.broadcast %reduce_max3A_443 : f32 to vector<1x128xf32>
        %select_n3A_447 = arith.select %eq3A_445, %broadcast_in_dim3A_446, %select_n3A_432 : vector<1x128xi1>, vector<1x128xf32>
        %eq3A_448 = vector.broadcast %reduce_max3A_443 : f32 to vector<8x2048xf32>
        %eq3A_449 = arith.cmpf oeq, %select_n3A_436, %eq3A_448 : vector<8x2048xf32>
        %broadcast_in_dim3A_450 = vector.broadcast %scan3A : f32 to vector<8x2048xf32>
        %select_n3A_451 = arith.select %eq3A_449, %broadcast_in_dim3A_450, %select_n3A_436 : vector<8x2048xi1>, vector<8x2048xf32>
        %scan3A_452 = arith.constant 9 : i32
        %scan3A_453 = arith.addi %scan3A_317, %scan3A_452 : i32
        %reduce_max3A_454 = vector.shape_cast %select_n3A_451 : vector<8x2048xf32> to vector<1x8x2048xf32>
        %reduce_max3A_455 = arith.constant dense<0xFF800000> : vector<1xf32>
        %reduce_max3A_456 = vector.multi_reduction <maximumf>, %reduce_max3A_454, %reduce_max3A_455 [1, 2] : vector<1x8x2048xf32> to vector<1xf32>
        %reduce_max3A_457 = vector.shape_cast %reduce_max3A_456 : vector<1xf32> to vector<1x1x1xf32>
        %reduce_max3A_458 = vector.extract %reduce_max3A_457[0, 0, 0] : f32 from vector<1x1x1xf32>
        %eq3A_459 = vector.broadcast %scan3A_453 : i32 to vector<1x128xi32>
        %eq3A_460 = arith.cmpi eq, %iota3A, %eq3A_459 : vector<1x128xi32>
        %broadcast_in_dim3A_461 = vector.broadcast %reduce_max3A_458 : f32 to vector<1x128xf32>
        %select_n3A_462 = arith.select %eq3A_460, %broadcast_in_dim3A_461, %select_n3A_447 : vector<1x128xi1>, vector<1x128xf32>
        %eq3A_463 = vector.broadcast %reduce_max3A_458 : f32 to vector<8x2048xf32>
        %eq3A_464 = arith.cmpf oeq, %select_n3A_451, %eq3A_463 : vector<8x2048xf32>
        %broadcast_in_dim3A_465 = vector.broadcast %scan3A : f32 to vector<8x2048xf32>
        %select_n3A_466 = arith.select %eq3A_464, %broadcast_in_dim3A_465, %select_n3A_451 : vector<8x2048xi1>, vector<8x2048xf32>
        %scan3A_467 = arith.constant 10 : i32
        %scan3A_468 = arith.addi %scan3A_317, %scan3A_467 : i32
        %reduce_max3A_469 = vector.shape_cast %select_n3A_466 : vector<8x2048xf32> to vector<1x8x2048xf32>
        %reduce_max3A_470 = arith.constant dense<0xFF800000> : vector<1xf32>
        %reduce_max3A_471 = vector.multi_reduction <maximumf>, %reduce_max3A_469, %reduce_max3A_470 [1, 2] : vector<1x8x2048xf32> to vector<1xf32>
        %reduce_max3A_472 = vector.shape_cast %reduce_max3A_471 : vector<1xf32> to vector<1x1x1xf32>
        %reduce_max3A_473 = vector.extract %reduce_max3A_472[0, 0, 0] : f32 from vector<1x1x1xf32>
        %eq3A_474 = vector.broadcast %scan3A_468 : i32 to vector<1x128xi32>
        %eq3A_475 = arith.cmpi eq, %iota3A, %eq3A_474 : vector<1x128xi32>
        %broadcast_in_dim3A_476 = vector.broadcast %reduce_max3A_473 : f32 to vector<1x128xf32>
        %select_n3A_477 = arith.select %eq3A_475, %broadcast_in_dim3A_476, %select_n3A_462 : vector<1x128xi1>, vector<1x128xf32>
        %eq3A_478 = vector.broadcast %reduce_max3A_473 : f32 to vector<8x2048xf32>
        %eq3A_479 = arith.cmpf oeq, %select_n3A_466, %eq3A_478 : vector<8x2048xf32>
        %broadcast_in_dim3A_480 = vector.broadcast %scan3A : f32 to vector<8x2048xf32>
        %select_n3A_481 = arith.select %eq3A_479, %broadcast_in_dim3A_480, %select_n3A_466 : vector<8x2048xi1>, vector<8x2048xf32>
        %scan3A_482 = arith.constant 11 : i32
        %scan3A_483 = arith.addi %scan3A_317, %scan3A_482 : i32
        %reduce_max3A_484 = vector.shape_cast %select_n3A_481 : vector<8x2048xf32> to vector<1x8x2048xf32>
        %reduce_max3A_485 = arith.constant dense<0xFF800000> : vector<1xf32>
        %reduce_max3A_486 = vector.multi_reduction <maximumf>, %reduce_max3A_484, %reduce_max3A_485 [1, 2] : vector<1x8x2048xf32> to vector<1xf32>
        %reduce_max3A_487 = vector.shape_cast %reduce_max3A_486 : vector<1xf32> to vector<1x1x1xf32>
        %reduce_max3A_488 = vector.extract %reduce_max3A_487[0, 0, 0] : f32 from vector<1x1x1xf32>
        %eq3A_489 = vector.broadcast %scan3A_483 : i32 to vector<1x128xi32>
        %eq3A_490 = arith.cmpi eq, %iota3A, %eq3A_489 : vector<1x128xi32>
        %broadcast_in_dim3A_491 = vector.broadcast %reduce_max3A_488 : f32 to vector<1x128xf32>
        %select_n3A_492 = arith.select %eq3A_490, %broadcast_in_dim3A_491, %select_n3A_477 : vector<1x128xi1>, vector<1x128xf32>
        %eq3A_493 = vector.broadcast %reduce_max3A_488 : f32 to vector<8x2048xf32>
        %eq3A_494 = arith.cmpf oeq, %select_n3A_481, %eq3A_493 : vector<8x2048xf32>
        %broadcast_in_dim3A_495 = vector.broadcast %scan3A : f32 to vector<8x2048xf32>
        %select_n3A_496 = arith.select %eq3A_494, %broadcast_in_dim3A_495, %select_n3A_481 : vector<8x2048xi1>, vector<8x2048xf32>
        %scan3A_497 = arith.constant 12 : i32
        %scan3A_498 = arith.addi %scan3A_317, %scan3A_497 : i32
        %reduce_max3A_499 = vector.shape_cast %select_n3A_496 : vector<8x2048xf32> to vector<1x8x2048xf32>
        %reduce_max3A_500 = arith.constant dense<0xFF800000> : vector<1xf32>
        %reduce_max3A_501 = vector.multi_reduction <maximumf>, %reduce_max3A_499, %reduce_max3A_500 [1, 2] : vector<1x8x2048xf32> to vector<1xf32>
        %reduce_max3A_502 = vector.shape_cast %reduce_max3A_501 : vector<1xf32> to vector<1x1x1xf32>
        %reduce_max3A_503 = vector.extract %reduce_max3A_502[0, 0, 0] : f32 from vector<1x1x1xf32>
        %eq3A_504 = vector.broadcast %scan3A_498 : i32 to vector<1x128xi32>
        %eq3A_505 = arith.cmpi eq, %iota3A, %eq3A_504 : vector<1x128xi32>
        %broadcast_in_dim3A_506 = vector.broadcast %reduce_max3A_503 : f32 to vector<1x128xf32>
        %select_n3A_507 = arith.select %eq3A_505, %broadcast_in_dim3A_506, %select_n3A_492 : vector<1x128xi1>, vector<1x128xf32>
        %eq3A_508 = vector.broadcast %reduce_max3A_503 : f32 to vector<8x2048xf32>
        %eq3A_509 = arith.cmpf oeq, %select_n3A_496, %eq3A_508 : vector<8x2048xf32>
        %broadcast_in_dim3A_510 = vector.broadcast %scan3A : f32 to vector<8x2048xf32>
        %select_n3A_511 = arith.select %eq3A_509, %broadcast_in_dim3A_510, %select_n3A_496 : vector<8x2048xi1>, vector<8x2048xf32>
        %scan3A_512 = arith.constant 13 : i32
        %scan3A_513 = arith.addi %scan3A_317, %scan3A_512 : i32
        %reduce_max3A_514 = vector.shape_cast %select_n3A_511 : vector<8x2048xf32> to vector<1x8x2048xf32>
        %reduce_max3A_515 = arith.constant dense<0xFF800000> : vector<1xf32>
        %reduce_max3A_516 = vector.multi_reduction <maximumf>, %reduce_max3A_514, %reduce_max3A_515 [1, 2] : vector<1x8x2048xf32> to vector<1xf32>
        %reduce_max3A_517 = vector.shape_cast %reduce_max3A_516 : vector<1xf32> to vector<1x1x1xf32>
        %reduce_max3A_518 = vector.extract %reduce_max3A_517[0, 0, 0] : f32 from vector<1x1x1xf32>
        %eq3A_519 = vector.broadcast %scan3A_513 : i32 to vector<1x128xi32>
        %eq3A_520 = arith.cmpi eq, %iota3A, %eq3A_519 : vector<1x128xi32>
        %broadcast_in_dim3A_521 = vector.broadcast %reduce_max3A_518 : f32 to vector<1x128xf32>
        %select_n3A_522 = arith.select %eq3A_520, %broadcast_in_dim3A_521, %select_n3A_507 : vector<1x128xi1>, vector<1x128xf32>
        %eq3A_523 = vector.broadcast %reduce_max3A_518 : f32 to vector<8x2048xf32>
        %eq3A_524 = arith.cmpf oeq, %select_n3A_511, %eq3A_523 : vector<8x2048xf32>
        %broadcast_in_dim3A_525 = vector.broadcast %scan3A : f32 to vector<8x2048xf32>
        %select_n3A_526 = arith.select %eq3A_524, %broadcast_in_dim3A_525, %select_n3A_511 : vector<8x2048xi1>, vector<8x2048xf32>
        %scan3A_527 = arith.constant 14 : i32
        %scan3A_528 = arith.addi %scan3A_317, %scan3A_527 : i32
        %reduce_max3A_529 = vector.shape_cast %select_n3A_526 : vector<8x2048xf32> to vector<1x8x2048xf32>
        %reduce_max3A_530 = arith.constant dense<0xFF800000> : vector<1xf32>
        %reduce_max3A_531 = vector.multi_reduction <maximumf>, %reduce_max3A_529, %reduce_max3A_530 [1, 2] : vector<1x8x2048xf32> to vector<1xf32>
        %reduce_max3A_532 = vector.shape_cast %reduce_max3A_531 : vector<1xf32> to vector<1x1x1xf32>
        %reduce_max3A_533 = vector.extract %reduce_max3A_532[0, 0, 0] : f32 from vector<1x1x1xf32>
        %eq3A_534 = vector.broadcast %scan3A_528 : i32 to vector<1x128xi32>
        %eq3A_535 = arith.cmpi eq, %iota3A, %eq3A_534 : vector<1x128xi32>
        %broadcast_in_dim3A_536 = vector.broadcast %reduce_max3A_533 : f32 to vector<1x128xf32>
        %select_n3A_537 = arith.select %eq3A_535, %broadcast_in_dim3A_536, %select_n3A_522 : vector<1x128xi1>, vector<1x128xf32>
        %eq3A_538 = vector.broadcast %reduce_max3A_533 : f32 to vector<8x2048xf32>
        %eq3A_539 = arith.cmpf oeq, %select_n3A_526, %eq3A_538 : vector<8x2048xf32>
        %broadcast_in_dim3A_540 = vector.broadcast %scan3A : f32 to vector<8x2048xf32>
        %select_n3A_541 = arith.select %eq3A_539, %broadcast_in_dim3A_540, %select_n3A_526 : vector<8x2048xi1>, vector<8x2048xf32>
        %scan3A_542 = arith.constant 15 : i32
        %scan3A_543 = arith.addi %scan3A_317, %scan3A_542 : i32
        %reduce_max3A_544 = vector.shape_cast %select_n3A_541 : vector<8x2048xf32> to vector<1x8x2048xf32>
        %reduce_max3A_545 = arith.constant dense<0xFF800000> : vector<1xf32>
        %reduce_max3A_546 = vector.multi_reduction <maximumf>, %reduce_max3A_544, %reduce_max3A_545 [1, 2] : vector<1x8x2048xf32> to vector<1xf32>
        %reduce_max3A_547 = vector.shape_cast %reduce_max3A_546 : vector<1xf32> to vector<1x1x1xf32>
        %reduce_max3A_548 = vector.extract %reduce_max3A_547[0, 0, 0] : f32 from vector<1x1x1xf32>
        %eq3A_549 = vector.broadcast %scan3A_543 : i32 to vector<1x128xi32>
        %eq3A_550 = arith.cmpi eq, %iota3A, %eq3A_549 : vector<1x128xi32>
        %broadcast_in_dim3A_551 = vector.broadcast %reduce_max3A_548 : f32 to vector<1x128xf32>
        %select_n3A_552 = arith.select %eq3A_550, %broadcast_in_dim3A_551, %select_n3A_537 : vector<1x128xi1>, vector<1x128xf32>
        %eq3A_553 = vector.broadcast %reduce_max3A_548 : f32 to vector<8x2048xf32>
        %eq3A_554 = arith.cmpf oeq, %select_n3A_541, %eq3A_553 : vector<8x2048xf32>
        %broadcast_in_dim3A_555 = vector.broadcast %scan3A : f32 to vector<8x2048xf32>
        %select_n3A_556 = arith.select %eq3A_554, %broadcast_in_dim3A_555, %select_n3A_541 : vector<8x2048xi1>, vector<8x2048xf32>
        scf.yield %select_n3A_556, %select_n3A_552 : vector<8x2048xf32>, vector<1x128xf32>
      }
      %scan3A_168 = arith.constant 128 : i32
      %transpose3A = tpu.transpose %get3A_161, [1, 0] : vector<8x2048xf32> -> vector<2048x8xf32>
      %iota3A_169 = tpu.iota {dimensions = array<i32: 1>} : vector<1x2048xi32>
      %convert_element_type3A_170 = arith.sitofp %iota3A_169 : vector<1x2048xi32> to vector<1x2048xf32>
      %broadcast_in_dim3A_171 = arith.constant 0.000000e+00 : f32
      %broadcast_in_dim3A_172 = vector.broadcast %broadcast_in_dim3A_171 : f32 to vector<1x128xf32>
      %broadcast_in_dim3A_173 = arith.constant 0.000000e+00 : f32
      %broadcast_in_dim3A_174 = vector.broadcast %broadcast_in_dim3A_173 : f32 to vector<1x128xf32>
      %slice3A = vector.extract_strided_slice %transpose3A {offsets = [0, 0], sizes = [2048, 1], strides = [1, 1]} : vector<2048x8xf32> to vector<2048x1xf32>
      %eq3A_175 = vector.broadcast %slice3A : vector<2048x1xf32> to vector<2048x128xf32>
      %eq3A_176 = vector.broadcast %scan3A_167#1 : vector<1x128xf32> to vector<2048x128xf32>
      %eq3A_177 = arith.cmpf oeq, %eq3A_175, %eq3A_176 : vector<2048x128xf32>
      %convert_element_type3A_178 = arith.extui %eq3A_177 : vector<2048x128xi1> to vector<2048x128xi32>
      %convert_element_type3A_179 = arith.sitofp %convert_element_type3A_178 : vector<2048x128xi32> to vector<2048x128xf32>
      %add3A_180 = arith.constant 0.000000e+00 : f32
      %add3A_181 = vector.broadcast %add3A_180 : f32 to vector<1x2048xf32>
      %add3A_182 = arith.addf %convert_element_type3A_170, %add3A_181 : vector<1x2048xf32>
      %dot_general3A_183 = arith.constant dense<0.000000e+00> : vector<1x128xf32>
      %dot_general3A_184 = tpu.matmul %add3A_182, %convert_element_type3A_179, %dot_general3A_183 {dimension_numbers = #tpu.dot_dimension_numbers<[1], [0], [0], [1], [0, 0, 1, 1], [], []>, precision = #tpu.contract_precision<fp32>, transpose_lhs_hint = false} : vector<1x2048xf32>, vector<2048x128xf32>, vector<1x128xf32> -> vector<1x128xf32>
      %add3A_185 = arith.addf %broadcast_in_dim3A_172, %dot_general3A_184 : vector<1x128xf32>
      %reduce_sum3A_186 = arith.constant dense<0.000000e+00> : vector<128xf32>
      %reduce_sum3A_187 = vector.multi_reduction <add>, %convert_element_type3A_179, %reduce_sum3A_186 [0] : vector<2048x128xf32> to vector<128xf32>
      %broadcast_in_dim3A_188 = vector.shape_cast %reduce_sum3A_187 : vector<128xf32> to vector<1x128xf32>
      %add3A_189 = arith.addf %broadcast_in_dim3A_174, %broadcast_in_dim3A_188 : vector<1x128xf32>
      %slice3A_190 = vector.extract_strided_slice %transpose3A {offsets = [0, 1], sizes = [2048, 1], strides = [1, 1]} : vector<2048x8xf32> to vector<2048x1xf32>
      %eq3A_191 = vector.broadcast %slice3A_190 : vector<2048x1xf32> to vector<2048x128xf32>
      %eq3A_192 = vector.broadcast %scan3A_167#1 : vector<1x128xf32> to vector<2048x128xf32>
      %eq3A_193 = arith.cmpf oeq, %eq3A_191, %eq3A_192 : vector<2048x128xf32>
      %convert_element_type3A_194 = arith.extui %eq3A_193 : vector<2048x128xi1> to vector<2048x128xi32>
      %convert_element_type3A_195 = arith.sitofp %convert_element_type3A_194 : vector<2048x128xi32> to vector<2048x128xf32>
      %add3A_196 = arith.constant 2.048000e+03 : f32
      %add3A_197 = vector.broadcast %add3A_196 : f32 to vector<1x2048xf32>
      %add3A_198 = arith.addf %convert_element_type3A_170, %add3A_197 : vector<1x2048xf32>
      %dot_general3A_199 = arith.constant dense<0.000000e+00> : vector<1x128xf32>
      %dot_general3A_200 = tpu.matmul %add3A_198, %convert_element_type3A_195, %dot_general3A_199 {dimension_numbers = #tpu.dot_dimension_numbers<[1], [0], [0], [1], [0, 0, 1, 1], [], []>, precision = #tpu.contract_precision<fp32>, transpose_lhs_hint = false} : vector<1x2048xf32>, vector<2048x128xf32>, vector<1x128xf32> -> vector<1x128xf32>
      %add3A_201 = arith.addf %add3A_185, %dot_general3A_200 : vector<1x128xf32>
      %reduce_sum3A_202 = arith.constant dense<0.000000e+00> : vector<128xf32>
      %reduce_sum3A_203 = vector.multi_reduction <add>, %convert_element_type3A_195, %reduce_sum3A_202 [0] : vector<2048x128xf32> to vector<128xf32>
      %broadcast_in_dim3A_204 = vector.shape_cast %reduce_sum3A_203 : vector<128xf32> to vector<1x128xf32>
      %add3A_205 = arith.addf %add3A_189, %broadcast_in_dim3A_204 : vector<1x128xf32>
      %slice3A_206 = vector.extract_strided_slice %transpose3A {offsets = [0, 2], sizes = [2048, 1], strides = [1, 1]} : vector<2048x8xf32> to vector<2048x1xf32>
      %eq3A_207 = vector.broadcast %slice3A_206 : vector<2048x1xf32> to vector<2048x128xf32>
      %eq3A_208 = vector.broadcast %scan3A_167#1 : vector<1x128xf32> to vector<2048x128xf32>
      %eq3A_209 = arith.cmpf oeq, %eq3A_207, %eq3A_208 : vector<2048x128xf32>
      %convert_element_type3A_210 = arith.extui %eq3A_209 : vector<2048x128xi1> to vector<2048x128xi32>
      %convert_element_type3A_211 = arith.sitofp %convert_element_type3A_210 : vector<2048x128xi32> to vector<2048x128xf32>
      %add3A_212 = arith.constant 4.096000e+03 : f32
      %add3A_213 = vector.broadcast %add3A_212 : f32 to vector<1x2048xf32>
      %add3A_214 = arith.addf %convert_element_type3A_170, %add3A_213 : vector<1x2048xf32>
      %dot_general3A_215 = arith.constant dense<0.000000e+00> : vector<1x128xf32>
      %dot_general3A_216 = tpu.matmul %add3A_214, %convert_element_type3A_211, %dot_general3A_215 {dimension_numbers = #tpu.dot_dimension_numbers<[1], [0], [0], [1], [0, 0, 1, 1], [], []>, precision = #tpu.contract_precision<fp32>, transpose_lhs_hint = false} : vector<1x2048xf32>, vector<2048x128xf32>, vector<1x128xf32> -> vector<1x128xf32>
      %add3A_217 = arith.addf %add3A_201, %dot_general3A_216 : vector<1x128xf32>
      %reduce_sum3A_218 = arith.constant dense<0.000000e+00> : vector<128xf32>
      %reduce_sum3A_219 = vector.multi_reduction <add>, %convert_element_type3A_211, %reduce_sum3A_218 [0] : vector<2048x128xf32> to vector<128xf32>
      %broadcast_in_dim3A_220 = vector.shape_cast %reduce_sum3A_219 : vector<128xf32> to vector<1x128xf32>
      %add3A_221 = arith.addf %add3A_205, %broadcast_in_dim3A_220 : vector<1x128xf32>
      %slice3A_222 = vector.extract_strided_slice %transpose3A {offsets = [0, 3], sizes = [2048, 1], strides = [1, 1]} : vector<2048x8xf32> to vector<2048x1xf32>
      %eq3A_223 = vector.broadcast %slice3A_222 : vector<2048x1xf32> to vector<2048x128xf32>
      %eq3A_224 = vector.broadcast %scan3A_167#1 : vector<1x128xf32> to vector<2048x128xf32>
      %eq3A_225 = arith.cmpf oeq, %eq3A_223, %eq3A_224 : vector<2048x128xf32>
      %convert_element_type3A_226 = arith.extui %eq3A_225 : vector<2048x128xi1> to vector<2048x128xi32>
      %convert_element_type3A_227 = arith.sitofp %convert_element_type3A_226 : vector<2048x128xi32> to vector<2048x128xf32>
      %add3A_228 = arith.constant 6.144000e+03 : f32
      %add3A_229 = vector.broadcast %add3A_228 : f32 to vector<1x2048xf32>
      %add3A_230 = arith.addf %convert_element_type3A_170, %add3A_229 : vector<1x2048xf32>
      %dot_general3A_231 = arith.constant dense<0.000000e+00> : vector<1x128xf32>
      %dot_general3A_232 = tpu.matmul %add3A_230, %convert_element_type3A_227, %dot_general3A_231 {dimension_numbers = #tpu.dot_dimension_numbers<[1], [0], [0], [1], [0, 0, 1, 1], [], []>, precision = #tpu.contract_precision<fp32>, transpose_lhs_hint = false} : vector<1x2048xf32>, vector<2048x128xf32>, vector<1x128xf32> -> vector<1x128xf32>
      %add3A_233 = arith.addf %add3A_217, %dot_general3A_232 : vector<1x128xf32>
      %reduce_sum3A_234 = arith.constant dense<0.000000e+00> : vector<128xf32>
      %reduce_sum3A_235 = vector.multi_reduction <add>, %convert_element_type3A_227, %reduce_sum3A_234 [0] : vector<2048x128xf32> to vector<128xf32>
      %broadcast_in_dim3A_236 = vector.shape_cast %reduce_sum3A_235 : vector<128xf32> to vector<1x128xf32>
      %add3A_237 = arith.addf %add3A_221, %broadcast_in_dim3A_236 : vector<1x128xf32>
      %slice3A_238 = vector.extract_strided_slice %transpose3A {offsets = [0, 4], sizes = [2048, 1], strides = [1, 1]} : vector<2048x8xf32> to vector<2048x1xf32>
      %eq3A_239 = vector.broadcast %slice3A_238 : vector<2048x1xf32> to vector<2048x128xf32>
      %eq3A_240 = vector.broadcast %scan3A_167#1 : vector<1x128xf32> to vector<2048x128xf32>
      %eq3A_241 = arith.cmpf oeq, %eq3A_239, %eq3A_240 : vector<2048x128xf32>
      %convert_element_type3A_242 = arith.extui %eq3A_241 : vector<2048x128xi1> to vector<2048x128xi32>
      %convert_element_type3A_243 = arith.sitofp %convert_element_type3A_242 : vector<2048x128xi32> to vector<2048x128xf32>
      %add3A_244 = arith.constant 8.192000e+03 : f32
      %add3A_245 = vector.broadcast %add3A_244 : f32 to vector<1x2048xf32>
      %add3A_246 = arith.addf %convert_element_type3A_170, %add3A_245 : vector<1x2048xf32>
      %dot_general3A_247 = arith.constant dense<0.000000e+00> : vector<1x128xf32>
      %dot_general3A_248 = tpu.matmul %add3A_246, %convert_element_type3A_243, %dot_general3A_247 {dimension_numbers = #tpu.dot_dimension_numbers<[1], [0], [0], [1], [0, 0, 1, 1], [], []>, precision = #tpu.contract_precision<fp32>, transpose_lhs_hint = false} : vector<1x2048xf32>, vector<2048x128xf32>, vector<1x128xf32> -> vector<1x128xf32>
      %add3A_249 = arith.addf %add3A_233, %dot_general3A_248 : vector<1x128xf32>
      %reduce_sum3A_250 = arith.constant dense<0.000000e+00> : vector<128xf32>
      %reduce_sum3A_251 = vector.multi_reduction <add>, %convert_element_type3A_243, %reduce_sum3A_250 [0] : vector<2048x128xf32> to vector<128xf32>
      %broadcast_in_dim3A_252 = vector.shape_cast %reduce_sum3A_251 : vector<128xf32> to vector<1x128xf32>
      %add3A_253 = arith.addf %add3A_237, %broadcast_in_dim3A_252 : vector<1x128xf32>
      %slice3A_254 = vector.extract_strided_slice %transpose3A {offsets = [0, 5], sizes = [2048, 1], strides = [1, 1]} : vector<2048x8xf32> to vector<2048x1xf32>
      %eq3A_255 = vector.broadcast %slice3A_254 : vector<2048x1xf32> to vector<2048x128xf32>
      %eq3A_256 = vector.broadcast %scan3A_167#1 : vector<1x128xf32> to vector<2048x128xf32>
      %eq3A_257 = arith.cmpf oeq, %eq3A_255, %eq3A_256 : vector<2048x128xf32>
      %convert_element_type3A_258 = arith.extui %eq3A_257 : vector<2048x128xi1> to vector<2048x128xi32>
      %convert_element_type3A_259 = arith.sitofp %convert_element_type3A_258 : vector<2048x128xi32> to vector<2048x128xf32>
      %add3A_260 = arith.constant 1.024000e+04 : f32
      %add3A_261 = vector.broadcast %add3A_260 : f32 to vector<1x2048xf32>
      %add3A_262 = arith.addf %convert_element_type3A_170, %add3A_261 : vector<1x2048xf32>
      %dot_general3A_263 = arith.constant dense<0.000000e+00> : vector<1x128xf32>
      %dot_general3A_264 = tpu.matmul %add3A_262, %convert_element_type3A_259, %dot_general3A_263 {dimension_numbers = #tpu.dot_dimension_numbers<[1], [0], [0], [1], [0, 0, 1, 1], [], []>, precision = #tpu.contract_precision<fp32>, transpose_lhs_hint = false} : vector<1x2048xf32>, vector<2048x128xf32>, vector<1x128xf32> -> vector<1x128xf32>
      %add3A_265 = arith.addf %add3A_249, %dot_general3A_264 : vector<1x128xf32>
      %reduce_sum3A_266 = arith.constant dense<0.000000e+00> : vector<128xf32>
      %reduce_sum3A_267 = vector.multi_reduction <add>, %convert_element_type3A_259, %reduce_sum3A_266 [0] : vector<2048x128xf32> to vector<128xf32>
      %broadcast_in_dim3A_268 = vector.shape_cast %reduce_sum3A_267 : vector<128xf32> to vector<1x128xf32>
      %add3A_269 = arith.addf %add3A_253, %broadcast_in_dim3A_268 : vector<1x128xf32>
      %slice3A_270 = vector.extract_strided_slice %transpose3A {offsets = [0, 6], sizes = [2048, 1], strides = [1, 1]} : vector<2048x8xf32> to vector<2048x1xf32>
      %eq3A_271 = vector.broadcast %slice3A_270 : vector<2048x1xf32> to vector<2048x128xf32>
      %eq3A_272 = vector.broadcast %scan3A_167#1 : vector<1x128xf32> to vector<2048x128xf32>
      %eq3A_273 = arith.cmpf oeq, %eq3A_271, %eq3A_272 : vector<2048x128xf32>
      %convert_element_type3A_274 = arith.extui %eq3A_273 : vector<2048x128xi1> to vector<2048x128xi32>
      %convert_element_type3A_275 = arith.sitofp %convert_element_type3A_274 : vector<2048x128xi32> to vector<2048x128xf32>
      %add3A_276 = arith.constant 1.228800e+04 : f32
      %add3A_277 = vector.broadcast %add3A_276 : f32 to vector<1x2048xf32>
      %add3A_278 = arith.addf %convert_element_type3A_170, %add3A_277 : vector<1x2048xf32>
      %dot_general3A_279 = arith.constant dense<0.000000e+00> : vector<1x128xf32>
      %dot_general3A_280 = tpu.matmul %add3A_278, %convert_element_type3A_275, %dot_general3A_279 {dimension_numbers = #tpu.dot_dimension_numbers<[1], [0], [0], [1], [0, 0, 1, 1], [], []>, precision = #tpu.contract_precision<fp32>, transpose_lhs_hint = false} : vector<1x2048xf32>, vector<2048x128xf32>, vector<1x128xf32> -> vector<1x128xf32>
      %add3A_281 = arith.addf %add3A_265, %dot_general3A_280 : vector<1x128xf32>
      %reduce_sum3A_282 = arith.constant dense<0.000000e+00> : vector<128xf32>
      %reduce_sum3A_283 = vector.multi_reduction <add>, %convert_element_type3A_275, %reduce_sum3A_282 [0] : vector<2048x128xf32> to vector<128xf32>
      %broadcast_in_dim3A_284 = vector.shape_cast %reduce_sum3A_283 : vector<128xf32> to vector<1x128xf32>
      %add3A_285 = arith.addf %add3A_269, %broadcast_in_dim3A_284 : vector<1x128xf32>
      %slice3A_286 = vector.extract_strided_slice %transpose3A {offsets = [0, 7], sizes = [2048, 1], strides = [1, 1]} : vector<2048x8xf32> to vector<2048x1xf32>
      %eq3A_287 = vector.broadcast %slice3A_286 : vector<2048x1xf32> to vector<2048x128xf32>
      %eq3A_288 = vector.broadcast %scan3A_167#1 : vector<1x128xf32> to vector<2048x128xf32>
      %eq3A_289 = arith.cmpf oeq, %eq3A_287, %eq3A_288 : vector<2048x128xf32>
      %convert_element_type3A_290 = arith.extui %eq3A_289 : vector<2048x128xi1> to vector<2048x128xi32>
      %convert_element_type3A_291 = arith.sitofp %convert_element_type3A_290 : vector<2048x128xi32> to vector<2048x128xf32>
      %add3A_292 = arith.constant 1.433600e+04 : f32
      %add3A_293 = vector.broadcast %add3A_292 : f32 to vector<1x2048xf32>
      %add3A_294 = arith.addf %convert_element_type3A_170, %add3A_293 : vector<1x2048xf32>
      %dot_general3A_295 = arith.constant dense<0.000000e+00> : vector<1x128xf32>
      %dot_general3A_296 = tpu.matmul %add3A_294, %convert_element_type3A_291, %dot_general3A_295 {dimension_numbers = #tpu.dot_dimension_numbers<[1], [0], [0], [1], [0, 0, 1, 1], [], []>, precision = #tpu.contract_precision<fp32>, transpose_lhs_hint = false} : vector<1x2048xf32>, vector<2048x128xf32>, vector<1x128xf32> -> vector<1x128xf32>
      %add3A_297 = arith.addf %add3A_281, %dot_general3A_296 : vector<1x128xf32>
      %reduce_sum3A_298 = arith.constant dense<0.000000e+00> : vector<128xf32>
      %reduce_sum3A_299 = vector.multi_reduction <add>, %convert_element_type3A_291, %reduce_sum3A_298 [0] : vector<2048x128xf32> to vector<128xf32>
      %broadcast_in_dim3A_300 = vector.shape_cast %reduce_sum3A_299 : vector<128xf32> to vector<1x128xf32>
      %add3A_301 = arith.addf %add3A_285, %broadcast_in_dim3A_300 : vector<1x128xf32>
      %sub3A = arith.constant 1.000000e+00 : f32
      %sub3A_302 = vector.broadcast %sub3A : f32 to vector<1x128xf32>
      %sub3A_303 = arith.subf %add3A_301, %sub3A_302 : vector<1x128xf32>
      %abs3A = math.absf %sub3A_303 : vector<1x128xf32>
      %reduce_max3A = vector.shape_cast %abs3A : vector<1x128xf32> to vector<1x1x128xf32>
      %reduce_max3A_304 = arith.constant dense<0xFF800000> : vector<1xf32>
      %reduce_max3A_305 = vector.multi_reduction <maximumf>, %reduce_max3A, %reduce_max3A_304 [1, 2] : vector<1x1x128xf32> to vector<1xf32>
      %reduce_max3A_306 = vector.shape_cast %reduce_max3A_305 : vector<1xf32> to vector<1x1x1xf32>
      %reduce_max3A_307 = vector.extract %reduce_max3A_306[0, 0, 0] : f32 from vector<1x1x1xf32>
      %gt3A = arith.constant 0.000000e+00 : f32
      %gt3A_308 = arith.cmpf ogt, %reduce_max3A_307, %gt3A : f32
      %convert_element_type3A_309 = arith.extui %gt3A_308 : i1 to i32
      %cond3A_310 = arith.constant 0xFF800000 : f32
      %cond3A_311 = arith.constant 0 : i32
      %cond3A_312 = arith.cmpi ne, %convert_element_type3A_309, %cond3A_311 : i32
      %cond3A_313 = scf.if %cond3A_312 -> (vector<1x128xi32>) {
        %iota3A_317 = tpu.iota {dimensions = array<i32: 0>} : vector<8x2048xi32>
        %mul3A_318 = arith.constant 2048 : i32
        %mul3A_319 = vector.broadcast %mul3A_318 : i32 to vector<8x2048xi32>
        %mul3A_320 = arith.muli %iota3A_317, %mul3A_319 : vector<8x2048xi32>
        %iota3A_321 = tpu.iota {dimensions = array<i32: 1>} : vector<8x2048xi32>
        %add3A_322 = arith.addi %mul3A_320, %iota3A_321 : vector<8x2048xi32>
        %broadcast_in_dim3A_323 = arith.constant 0 : i32
        %broadcast_in_dim3A_324 = vector.broadcast %broadcast_in_dim3A_323 : i32 to vector<1x128xi32>
        %scan3A_325 = arith.constant 1073741824 : i32
        %scan3A_326 = arith.constant 0 : i32
        %scan3A_327 = arith.constant 128 : i32
        %scan3A_328 = arith.addi %scan3A_326, %scan3A_327 : i32
        %scan3A_329 = arith.constant 1 : i32
        %scan3A_330:2 = scf.for %scan3A_332 = %scan3A_326 to %scan3A_328 step %scan3A_329 iter_args(%scan3A_333 = %get3A_161, %scan3A_334 = %broadcast_in_dim3A_324) -> (vector<8x2048xf32>, vector<1x128xi32>)  : i32 {
          %reduce_max3A_335 = vector.shape_cast %scan3A_333 : vector<8x2048xf32> to vector<1x8x2048xf32>
          %reduce_max3A_336 = arith.constant dense<0xFF800000> : vector<1xf32>
          %reduce_max3A_337 = vector.multi_reduction <maximumf>, %reduce_max3A_335, %reduce_max3A_336 [1, 2] : vector<1x8x2048xf32> to vector<1xf32>
          %reduce_max3A_338 = vector.shape_cast %reduce_max3A_337 : vector<1xf32> to vector<1x1x1xf32>
          %reduce_max3A_339 = vector.extract %reduce_max3A_338[0, 0, 0] : f32 from vector<1x1x1xf32>
          %eq3A_340 = vector.broadcast %reduce_max3A_339 : f32 to vector<8x2048xf32>
          %eq3A_341 = arith.cmpf oeq, %scan3A_333, %eq3A_340 : vector<8x2048xf32>
          %broadcast_in_dim3A_342 = vector.broadcast %scan3A_325 : i32 to vector<8x2048xi32>
          %select_n3A = arith.select %eq3A_341, %add3A_322, %broadcast_in_dim3A_342 : vector<8x2048xi1>, vector<8x2048xi32>
          %reduce_min3A = vector.shape_cast %select_n3A : vector<8x2048xi32> to vector<1x8x2048xi32>
          %reduce_min3A_343 = arith.constant dense<2147483647> : vector<1xi32>
          %reduce_min3A_344 = vector.multi_reduction <minsi>, %reduce_min3A, %reduce_min3A_343 [1, 2] : vector<1x8x2048xi32> to vector<1xi32>
          %reduce_min3A_345 = vector.shape_cast %reduce_min3A_344 : vector<1xi32> to vector<1x1x1xi32>
          %reduce_min3A_346 = vector.extract %reduce_min3A_345[0, 0, 0] : i32 from vector<1x1x1xi32>
          %eq3A_347 = vector.broadcast %scan3A_332 : i32 to vector<1x128xi32>
          %eq3A_348 = arith.cmpi eq, %iota3A, %eq3A_347 : vector<1x128xi32>
          %broadcast_in_dim3A_349 = vector.broadcast %reduce_min3A_346 : i32 to vector<1x128xi32>
          %select_n3A_350 = arith.select %eq3A_348, %broadcast_in_dim3A_349, %scan3A_334 : vector<1x128xi1>, vector<1x128xi32>
          %eq3A_351 = vector.broadcast %reduce_min3A_346 : i32 to vector<8x2048xi32>
          %eq3A_352 = arith.cmpi eq, %add3A_322, %eq3A_351 : vector<8x2048xi32>
          %broadcast_in_dim3A_353 = vector.broadcast %cond3A_310 : f32 to vector<8x2048xf32>
          %select_n3A_354 = arith.select %eq3A_352, %broadcast_in_dim3A_353, %scan3A_333 : vector<8x2048xi1>, vector<8x2048xf32>
          scf.yield %select_n3A_354, %select_n3A_350 : vector<8x2048xf32>, vector<1x128xi32>
        }
        %scan3A_331 = arith.constant 128 : i32
        scf.yield %scan3A_330#1 : vector<1x128xi32>
      } else {
        %convert_element_type3A_317 = arith.fptosi %add3A_297 : vector<1x128xf32> to vector<1x128xi32>
        scf.yield %convert_element_type3A_317 : vector<1x128xi32>
      }
      %swap3A_314 = arith.constant 0 : index
      %swap3A_315 = arith.constant 0 : index
      %swap3A_316 = vector.load %arg8[%swap3A_314, %swap3A_315] : memref<1x128xi32, #tpu.memory_space<vmem>>, vector<1x128xi32>
      tpu.vector_store %arg8[%swap3A_314, %swap3A_315], %cond3A_313 {strides = array<i32>} : memref<1x128xi32, #tpu.memory_space<vmem>>, vector<1x128xi32>,
    } else {
    }
    return
  }
  func.func @transform_0(%arg0: i32) -> (i32, i32) {
    %c0_i32 = arith.constant 0 : i32
    %c0_i32_0 = arith.constant 0 : i32
    %c0_i32_1 = arith.constant 0 : i32
    return %c0_i32, %c0_i32_0 : i32, i32
  }
  func.func @transform_1(%arg0: i32) -> (i32, i32) {
    %c0_i32 = arith.constant 0 : i32
    %c0_i32_0 = arith.constant 0 : i32
    %c0_i32_1 = arith.constant 0 : i32
    return %c0_i32, %c0_i32_0 : i32, i32
  }
  func.func @transform_2(%arg0: i32) -> (i32, i32) {
    %c0_i32 = arith.constant 0 : i32
    %c0_i32_0 = arith.constant 0 : i32
    %c0_i32_1 = arith.constant 0 : i32
    return %c0_i32, %c0_i32_0 : i32, i32
  }
  func.func @transform_3(%arg0: i32) -> (i32, i32) {
    %c0_i32 = arith.constant 0 : i32
    %c0_i32_0 = arith.constant 0 : i32
    %c0_i32_1 = arith.constant 0 : i32
    return %c0_i32, %c0_i32_0 : i32, i32
  }
  func.func @transform_4(%arg0: i32) -> (i32, i32) {
    %c0_i32 = arith.constant 0 : i32
    %c0_i32_0 = arith.constant 0 : i32
    %c0_i32_1 = arith.constant 0 : i32
    return %c0_i32, %c0_i32_0 : i32, i32
  }
  func.func @transform_5(%arg0: i32) -> (i32, i32) {
    %c0_i32 = arith.constant 0 : i32
    %c0_i32_0 = arith.constant 0 : i32
    return %arg0, %c0_i32 : i32, i32
  }
  func.func @transform_6(%arg0: i32) -> (i32, i32) {
    %c0_i32 = arith.constant 0 : i32
    %c0_i32_0 = arith.constant 0 : i32
    %c0_i32_1 = arith.constant 0 : i32
    return %c0_i32, %c0_i32_0 : i32, i32
  }
  func.func @transform_7(%arg0: i32) -> (i32, i32) {
    %c0_i32 = arith.constant 0 : i32
    %c0_i32_0 = arith.constant 0 : i32
    %c0_i32_1 = arith.constant 0 : i32
    return %c0_i32, %c0_i32_0 : i32, i32
  }
}

</mosaic_0001>

<sc_bundles>
// kernel: kernel.4.cloned.1.call-start
scs
__scs_entry_jumppad:
0x0: {  	(pc) =	sbr.rel $0x88, $3  }
0x1: {  	(tag) =	ssettag $0x0;
	lr =	simm.s32 $0x1  }
0x2: {  	[smem:$0x3F9B] =	sst lr;
	_ =	strace $0xD0000000  }
0x3: {  	_ = 	snop  }
0x4: {  	_ = 	snop  }
0x5: {  	_ = 	snop  }
0x6: {  	_ = 	snop  }
0x7: {  	_ = 	snop  }
__scs_overlays_trampoline_lowered:
0x8: {  	[smem:$0x3FAA] =	sst s0  }
0x9: {  	[smem:$0x3FAB] =	sst s1  }
0xa: {  	[smem:$0x3FAC] =	sst s2  }
0xb: {  	[smem:$0x3FAD] =	sst s3  }
0xc: {  	[smem:$0x3FAE] =	sst s4  }
0xd: {  	[smem:$0x3FAF] =	sst s5  }
0xe: {  	[smem:$0x3FB0] =	sst s6  }
0xf: {  	[smem:$0x3FB1] =	sst s7  }
0x10: {  	[smem:$0x3FB2] =	sst s8  }
0x11: {  	[smem:$0x3FB3] =	sst s9;
	s0 =	simm.s32 @!p0 $0x0  }
0x12: {  	s1 =	sld [smem:$0x3F99];
	s0 =	simm.s32 @p0 $0x1  }
0x13: {  	[smem:$0x3FB4] =	sst s0;
	s0 =	simm.s32 @!p1 $0x0  }
0x14: {  	s2 =	sld [smem:$0x3F98];
	s0 =	simm.s32 @p1 $0x1  }
0x15: {  	[smem:$0x3FB5] =	sst s0;
	s0 =	simm.s32 @!p2 $0x0  }
0x16: {  	s3 =	sld [smem:$0x3FDB];
	s0 =	simm.s32 @p2 $0x1  }
0x17: {  	s4 =	simm.s32 $0x1BF5;
	[smem:$0x3FB7] =	sst s0  }
0x18: {  	s0 =	sld [smem:$0x3F9A];
	_ =	swait.ge [sflag:s4], $0x0  }
0x19: {  	s7 =	sld [smem:$0x3F9B]  }
0x1a: {  	s8 =	sadd.s32 $0xFFFFE003, lr  }
0x1b: {  	s9 =	sadd.s32 $0xFFFFFEF7, lr;
	s5 =	simm.s32 $0xFFFFFFFF;
	p2 =	slt.u32 s8, $0xFFFFF086  }
0x1c: {  	p1 =	slt.u32 s9, $0xF7A;
	s5 =	simm.s32 @!p2 $0x0  }
0x1d: {  	s5 =	simm.s32 @p1 $0x1;
	p0 =	seq.s32 s7, s2  }
0x1e: {  	s7 =	smul.u32 @!p0 $0xF7A, s2;
	p2 =	seq.s32 @!p0 s5, $0x0  }
0x1f: {  	s9 =	smul.u32 $0xF7A, s1;
	s8 =	simm.s32 @!p0 $0x1BF5;
	p2 =	por !p2, p0  }
0x20: {  	[sflag:s8] =	ssyncset.s32 @!p0 $0xFFFFF086;
	s6 =	sadd.s32 @!p0 s3, s7;
	s7 =	simm.s32 @!p0 $0x108  }
0x21: {  	s3 =	sadd.s32 s3, s9;
	s6 =	sadd.s32 @!p0 $0x88, s6;
	s7 =	simm.s32 @p2 $0x1082  }
0x22: {  	[simem:s7], [sflag:s8] =	dma.local @!p0 [hbm:s6], $0xF7A  }
0x23: {  	s9 =	sor.u32 $0xD0000000, s2;
	s6 =	simm.s32 $0x108;
	_ =	swait.ge @!p0 [sflag:s8], $0x0  }
0x24: {  	s3 =	sadd.s32 $0x88, s3;
	s6 =	simm.s32 @!p1 $0x1082;
	[sflag:s4] =	ssyncset.s32 $0xFFFFF086  }
0x25: {  	[simem:s6], [sflag:s4] =	dma.local [hbm:s3], $0xF7A  }
0x26: {  	[smem:$0x3F9B] =	sst s1;
	(tag) =	ssettag s2;
	_ =	strace s9  }
0x27: {  	s1 =	sld [smem:$0x3FAB]  }
0x28: {  	s2 =	sld [smem:$0x3FAC]  }
0x29: {  	s4 =	sld [smem:$0x3FAE]  }
0x2a: {  	p0 =	seq.s32 s5, $0x0;
	s5 =	sld [smem:$0x3FAF]  }
0x2b: {  	s6 =	sld [smem:$0x3FB0]  }
0x2c: {  	s7 =	sld [smem:$0x3FB1]  }
0x2d: {  	s3 =	simm.s32 $0x108;
	s8 =	sld [smem:$0x3FB2]  }
0x2e: {  	s3 =	simm.s32 @!p0 $0x1082;
	s9 =	sld [smem:$0x3FB3]  }
0x2f: {  	lr =	sadd.s32 s0, s3;
	s0 =	sld [smem:$0x3FAA]  }
0x30: {  	s3 =	sld [smem:$0x3FAD]  }
0x31: {  	[smem:$0x3FB6] =	sst s10  }
0x32: {  	s10 =	sld [smem:$0x3FB4];
	_ =	sdelay $0x3  }
0x33: {  	p0 =	seq.s32 s10, $0x1;
	s10 =	sld [smem:$0x3FB6];
	_ =	sdelay $0x3  }
0x34: {  	[smem:$0x3FB6] =	sst s10  }
0x35: {  	s10 =	sld [smem:$0x3FB5];
	_ =	sdelay $0x3  }
0x36: {  	p1 =	seq.s32 s10, $0x1;
	s10 =	sld [smem:$0x3FB6];
	_ =	sdelay $0x3  }
0x37: {  	[smem:$0x3FB6] =	sst s10  }
0x38: {  	s10 =	sld [smem:$0x3FB7]  }
0x39: {  	_ = 	snop;
	(pc) =	sbr.ind lr, $3  }
0x3a: {  	_ = 	snop  }
0x3b: {  	_ = 	snop  }
0x3c: {  	p2 =	seq.s32 s10, $0x1;
	s10 =	sld [smem:$0x3FB6]  }
0x3d: {  	_ =	shalt  }
0x3e: {  	_ =	shalt  }
0x3f: {  	_ =	shalt  }
0x40: {  	_ =	shalt  }
0x41: {  	_ =	shalt  }
0x42: {  	_ =	shalt  }
0x43: {  	_ =	shalt  }
0x44: {  	_ =	shalt  }
0x45: {  	_ =	shalt  }
0x46: {  	_ =	shalt  }
0x47: {  	_ =	shalt  }
0x48: {  	_ =	shalt  }
0x49: {  	_ =	shalt  }
0x4a: {  	_ =	shalt  }
0x4b: {  	_ =	shalt  }
0x4c: {  	_ =	shalt  }
0x4d: {  	_ =	shalt  }
0x4e: {  	_ =	shalt  }
0x4f: {  	_ =	shalt  }
0x50: {  	_ =	shalt  }
0x51: {  	_ =	shalt  }
0x52: {  	_ =	shalt  }
0x53: {  	_ =	shalt  }
0x54: {  	_ =	shalt  }
0x55: {  	_ =	shalt  }
0x56: {  	_ =	shalt  }
0x57: {  	_ =	shalt  }
0x58: {  	_ =	shalt  }
0x59: {  	_ =	shalt  }
0x5a: {  	_ =	shalt  }
0x5b: {  	_ =	shalt  }
0x5c: {  	_ =	shalt  }
0x5d: {  	_ =	shalt  }
0x5e: {  	_ =	shalt  }
0x5f: {  	_ =	shalt  }
0x60: {  	_ =	shalt  }
0x61: {  	_ =	shalt  }
0x62: {  	_ =	shalt  }
0x63: {  	_ =	shalt  }
0x64: {  	_ =	shalt  }
0x65: {  	_ =	shalt  }
0x66: {  	_ =	shalt  }
0x67: {  	_ =	shalt  }
0x68: {  	_ =	shalt  }
0x69: {  	_ =	shalt  }
0x6a: {  	_ =	shalt  }
0x6b: {  	_ =	shalt  }
0x6c: {  	_ =	shalt  }
0x6d: {  	_ =	shalt  }
0x6e: {  	_ =	shalt  }
0x6f: {  	_ =	shalt  }
0x70: {  	_ =	shalt  }
0x71: {  	_ =	shalt  }
0x72: {  	_ =	shalt  }
0x73: {  	_ =	shalt  }
0x74: {  	_ =	shalt  }
0x75: {  	_ =	shalt  }
0x76: {  	_ =	shalt  }
0x77: {  	_ =	shalt  }
0x78: {  	_ =	shalt  }
0x79: {  	_ =	shalt  }
0x7a: {  	_ =	shalt  }
0x7b: {  	_ =	shalt  }
0x7c: {  	_ =	shalt  }
0x7d: {  	_ =	shalt  }
0x7e: {  	_ =	shalt  }
0x7f: {  	_ =	shalt  }
0x80: {  	_ =	shalt  }
0x81: {  	_ =	shalt  }
0x82: {  	_ =	shalt  }
0x83: {  	_ =	shalt  }
0x84: {  	_ =	shalt  }
0x85: {  	_ =	shalt  }
0x86: {  	_ =	shalt  }
0x87: {  	_ =	shalt  }
.Lfunc_end0:
.L_simem_size_0:
called_computation_lowered:
.L_overlay_start_0:
0x88: {  	s2 =	sld [smem:$0x3FD9]  }
0x89: {  	s3 =	sld [smem:$0x3FFE];
	_ =	sdelay $0x1  }
0x8a: {  	s1 =	srdreg.scid  }
0x8b: {  	s0 =	sand.u32 $0x1, s1  }
0x8c: {  	s14 =	sshll.u32 s0, $0xA;
	s2 =	sadd.s32 s3, s2  }
0x8d: {  	s2 =	sadd.s32 s2, s14  }
0x8e: {  	[smem:$0x3FC2] =	sst s2  }
0x8f: {  	_ = 	snop  }
0x90: {  	s2 =	sld [smem:$0x3FD0];
	_ =	sdelay $0x2  }
0x91: {  	s4 =	simm.s32 $0xA;
	s5 =	simm.s32 $0x10;
	s15 =	sld [smem:$0x3FC9]  }
0x92: {  	[smem:s5], [sflag:s4] =	dma.local [hbm:s2], $0x1  }
0x93: {  	_ =	swait.eq [sflag:s4], $0x1  }
0x94: {  	[sflag:s4] =	ssyncset.done $0x0  }
0x95: {  	[sflag:s4] =	ssyncadd.s32 $0xFFFFFFFF  }
0x96: {  	s16 =	sld [smem:$0x10];
	(tm) =	ssettm $0x1  }
0x97: {  	s17 =	sld [smem:$0x3FFB];
	_ =	sdelay $0x3  }
0x98: {  	_ =	strace s17  }
0x99: {  	s4 =	sld [smem:$0x3FFC];
	_ =	sdelay $0x3  }
0x9a: {  	_ =	strace s4  }
0x9b: {  	s4 =	sld [smem:$0x3FFD];
	_ =	sdelay $0x3  }
0x9c: {  	_ =	strace s4  }
0x9d: {  	_ =	strace $0x8FFFFFFF  }
0x9e: {  	s18 =	sld [smem:$0x3FDB];
	_ =	sdelay $0x1  }
0x9f: {  	s19 =	simm.s32 $_scs_section_size  }
0xa0: {  	s6 =	simm.s32 $_size__tile_overlayer_lowered;
	s7 =	simm.s32 $_tile_overlayer_lowered  }
0xa1: {  	s22 =	simm.s32 $0x1BFF;
	s21 =	sshll.u32 s7, $0x1;
	s4 =	sadd.s32 s19, s18  }
0xa2: {  	s8 =	simm.s32 $0x0;
	s20 =	sshll.u32 s6, $0x1;
	s6 =	sadd.s32 s21, s4  }
0xa3: {  	[timem:s8], [sflag:s22] =	dma.local [hbm:s6], s20  }
0xa4: {  	_ =	swait.ge [sflag:s22], s20  }
0xa5: {  	s5 =	ssub.s32 $0x0, s20;
	[sflag:s22] =	ssyncset.done $0x0  }
0xa6: {  	[sflag:s22] =	ssyncadd.s32 s5;
	_ =	sdelay $0x1  }
0xa7: {  	s23 =	simm.s32 $0x1B8B  }
0xa8: {  	_ =	swait.ge [sflag:s23], $0x1  }
0xa9: {  	[sflag:s23] =	ssyncset.done $0x0  }
0xaa: {  	s25 =	simm.s32 $0x1B8E;
	s24 =	sld [smem:$0x3FFE];
	[sflag:s23] =	ssyncadd.s32 $0xFFFFFFFF  }
0xab: {  	s26 =	simm.s32 $execute0_lowered;
	[smem:$0x3FD2] =	sst s25  }
0xac: {  	s6 =	sshll.u32 s26, $0x1;
	_ =	strace $0x80000046;
	[dreg:$0x1] =	wrdreg $0xFFFFFFFF  }
0xad: {  	s28 =	simm.s32 $_size_execute0_lowered;
	s4 =	sadd.s32 s4, s6;
	[dreg:$0x0] =	wrdreg $0x0  }
0xae: {  	s6 =	sshll.u32 s28, $0x1;
	[dreg:$0x2] =	wrdreg s4  }
0xaf: {  	[dreg:$0x3] =	wrdreg s6  }
0xb0: {  	[dreg:$0x4] =	wrdreg $0xC0  }
0xb1: {  	_ =	task [dreg:s8], $0x5FFFF  }
0xb2: {  	[dreg:$0x1] =	wrdreg $0xFFFFFFFF  }
0xb3: {  	[dreg:$0x0] =	wrdreg $0x60  }
0xb4: {  	[dreg:$0x2] =	wrdreg s15  }
0xb5: {  	[dreg:$0x3] =	wrdreg s24  }
0xb6: {  	[dreg:$0x4] =	wrdreg s16  }
0xb7: {  	[dreg:$0x5] =	wrdreg $0x9  }
0xb8: {  	_ =	task.clear_ibuf [dreg:s8], $0x6FFFF;
	_ =	strace $0x90000046  }
0xb9: {  	s29 =	simm.s32 $0x9;
	_ =	strace $0x80000048  }
0xba: {  	_ =	swait.ge [sflag:s29], $0x1  }
0xbb: {  	[sflag:s29] =	ssyncadd.s32 $0xFFFFFFFF  }
0xbc: {  	_ =	strace $0x90000048  }
0xbd: {  	_ =	sfence  }
0xbe: {  	s30 =	sld [smem:$0x0];
	_ =	sdelay $0x2  }
0xbf: {  	s31 =	sshll.u32 s1, $0xD;
	s1 =	sshrl.u32 s1, $0x2  }
0xc0: {  	s3 =	sand.u32 $0x4000, s31;
	s1 =	sadd.s32 s1, s30  }
0xc1: {  	s0 =	sor.u32 s3, s0;
	s1 =	sshll.u32 s1, $0x11  }
0xc2: {  	s0 =	sor.u32 s1, s0  }
0xc3: {  	s0 =	sadd.s32 $0x8F2B, s0  }
0xc4: {  	[sflag:s0] =	ssyncadd.remote.s32 $0x1  }
0xc5: {  	_ =	sfence.sel $0xFFFF  }
0xc6: {  	[dreg:$0x0] =	wrdreg $0xFFFFFFFF;
	(pc) =	sbr.abs _section_cstart, $3  }
0xc7: {  	[dreg:$0x1] =	wrdreg $0xFFFFFFFF  }
0xc8: {  	_ =	task.clear_ibuf [dreg:s8], $0x2FFFF;
	_ =	strace $0x9FFFFFFF  }
0xc9: {  	(tm) =	ssettm $0x7FFFFFFF  }
tec
execute0_lowered:
.L_overlay_start_1:
0x0: {  	(tag) =	ssettag $0x1  }
0x1: {  	s1 =	stileid.u32  }
0x2: {  	p0 =	sgt.u32 s1, $0x7  }
.Ltmp0:
0x3: {  	s2 =	rddreg [dreg:$0x0];
	(pc) =	sbr.rel @p0 .LBB2_4-.Ltmp0, $4  }
0x4: {  	s4 =	rddreg [dreg:$0x1]  }
0x5: {  	s14 =	rddreg [dreg:$0x2];
	s3 =	simm.s32 $0x0  }
0x6: {  	[smem:$0x7FF] =	sst s3  }
0x7: {  	s0 =	rddreg [dreg:$0x3];
	_ =	strace $0x80000047  }
0x8: {  	s5 =	srdreg.scid  }
0x9: {  	s30 =	sshll.u32 s1, $0x1;
	s12 =	sand.u32 $0x1, s5  }
0xa: {  	s4 =	sadd.s32 $0x1200, s4;
	s15 =	sor.u32 s12, s30  }
0xb: {  	s5 =	sadd.s32 s4, s15;
	s4 =	simm.s32 $0x2  }
0xc: {  	[tilespmem:s3], [sflag:$0x2] =	stream.linear.gather [hbm4b:s5+s3], $0x8, $0x38;
	[tilespmem:$0x2080] =	vst v63  }
0xd: {  	_ =	swait.ge [sflag:s4], $0x8  }
0xe: {  	[sflag:s4] =	ssyncset.done $0x0  }
0xf: {  	[sflag:s4] =	ssyncadd.s32 $0xFFFFFFF8  }
0x10: {  	v0 =	vld.msk [tilespmem:$0x0], $0xff;
	_ =	sdelay $0x4  }
0x11: {  	v1 =	vshll.u32 v0, $0x3  }
0x12: {  	v2 =	vlaneseq.u32;
	v3 =	vand.u32 $0x7, v0;
	v1 =	vand.u32 $0xFFFFFFC0, v1  }
0x13: {  	v0 =	vand.u32 $0x7, v2;
	v2 =	vshrl.u32 v2, $0x3;
	v3 =	vor.u32 v3, v1  }
0x14: {  	v1 =	vmul.u32 $0x8, v2;
	v2 =	vperm.xlane v3, v0;
	_ =	sdelay $0x1  }
0x15: {  	v2 =	vadd.s32 v1, v2;
	_ =	sdelay $0x3  }
0x16: {  	vm0 =	vmmov $0xffff;
	s6 =	simm.s32 $0x80;
	s7 =	sadd.s32 $0x100, s2;
	s16 =	ssub.s32 $0x2, s12  }
0x17: {  	[tilespmem:s6], [sflag:$0x1] =	stream.indirect_vreg.gather [hbm4b:s2+s3], $0x80, v2, vm0, $0xb8;
	[tilespmem:$0x2080] =	vst v63  }
0x18: {  	s8 =	simm.s32 $0x880;
	s9 =	sadd.s32 $0x200, s2;
	s17 =	sshrl.u32 s16, $0x1  }
0x19: {  	[tilespmem:s8], [sflag:$0x1] =	stream.indirect_vreg.gather [hbm4b:s7+s3], $0x80, v2, vm0, $0xb8;
	[tilespmem:$0x2080] =	vst v63  }
0x1a: {  	s10 =	sadd.s32 $0x300, s2;
	s11 =	simm.s32 $0x1080;
	s16 =	ssub.s32 s16, s17  }
0x1b: {  	[tilespmem:s11], [sflag:$0x1] =	stream.indirect_vreg.gather [hbm4b:s9+s3], $0x80, v2, vm0, $0xb8;
	[tilespmem:$0x2080] =	vst v63  }
0x1c: {  	s13 =	simm.s32 $0x1;
	s12 =	simm.s32 $0x1880;
	s31 =	smax.u32 s16, $0x1  }
0x1d: {  	[tilespmem:s12], [sflag:$0x1] =	stream.indirect_vreg.gather [hbm4b:s10+s3], $0x80, v2, vm0, $0xb8;
	[tilespmem:$0x2080] =	vst v63  }
0x1e: {  	p0 =	sne.s32 s31, $0x1;
	_ =	swait.ge [sflag:s13], $0x2000  }
.Ltmp1:
0x1f: {  	s15 =	sshll.u32 s15, $0xA;
	[sflag:s13] =	ssyncset.done $0x0;
	(pc) =	sbr.rel @!p0 .LBB2_3-.Ltmp1, $4  }
0x20: {  	s14 =	sadd.s32 s14, s15;
	[sflag:s13] =	ssyncadd.s32 $0xFFFFE000  }
0x21: {  	[hbm4b:s14+s3] =	stream.linear.scatter [tilespmem:s6], [sflag:$0x2], $0x2000, $0x38;
	[tilespmem:$0x2080] =	vst v63  }
0x22: {  	_ =	swait.ge [sflag:s4], $0x2000  }
0x23: {  	s15 =	sadd.s32 $0xFFFFFFFF, s31;
	[sflag:s4] =	ssyncset.done $0x0  }
.LBB2_2:
0x24: {  	p0 =	sne.s32 s15, $0x1;
	s15 =	sadd.s32 $0xFFFFFFFF, s15;
	[sflag:s4] =	ssyncadd.s32 $0xFFFFE000  }
0x25: {  	[tilespmem:s3], [sflag:$0x2] =	stream.linear.gather [hbm4b:s5+s3], $0x8, $0x38;
	[tilespmem:$0x2080] =	vst v63  }
0x26: {  	_ =	swait.ge [sflag:s4], $0x8  }
0x27: {  	[sflag:s4] =	ssyncset.done $0x0  }
0x28: {  	[sflag:s4] =	ssyncadd.s32 $0xFFFFFFF8  }
0x29: {  	v2 =	vld.msk [tilespmem:$0x0], $0xff;
	_ =	sdelay $0x4  }
0x2a: {  	v3 =	vshll.u32 v2, $0x3  }
0x2b: {  	v2 =	vand.u32 $0x7, v2;
	v3 =	vand.u32 $0xFFFFFFC0, v3  }
0x2c: {  	v2 =	vor.u32 v2, v3  }
0x2d: {  	v2 =	vperm.xlane v2, v0;
	_ =	sdelay $0x1  }
0x2e: {  	v2 =	vadd.s32 v1, v2;
	_ =	sdelay $0x4  }
0x2f: {  	[tilespmem:s6], [sflag:$0x1] =	stream.indirect_vreg.gather [hbm4b:s2+s3], $0x80, v2, vm0, $0xb8;
	[tilespmem:$0x2080] =	vst v63  }
0x30: {  	_ = 	snop  }
0x31: {  	[tilespmem:s8], [sflag:$0x1] =	stream.indirect_vreg.gather [hbm4b:s7+s3], $0x80, v2, vm0, $0xb8;
	[tilespmem:$0x2080] =	vst v63  }
0x32: {  	_ = 	snop  }
0x33: {  	[tilespmem:s11], [sflag:$0x1] =	stream.indirect_vreg.gather [hbm4b:s9+s3], $0x80, v2, vm0, $0xb8;
	[tilespmem:$0x2080] =	vst v63  }
0x34: {  	_ = 	snop  }
0x35: {  	[tilespmem:s12], [sflag:$0x1] =	stream.indirect_vreg.gather [hbm4b:s10+s3], $0x80, v2, vm0, $0xb8;
	[tilespmem:$0x2080] =	vst v63  }
0x36: {  	_ =	swait.ge [sflag:s13], $0x2000  }
.Ltmp2:
0x37: {  	[sflag:s13] =	ssyncset.done $0x0;
	(pc) =	sbr.rel @p0 .LBB2_2-.Ltmp2, $4  }
0x38: {  	[sflag:s13] =	ssyncadd.s32 $0xFFFFE000  }
0x39: {  	[hbm4b:s14+s3] =	stream.linear.scatter [tilespmem:s6], [sflag:$0x2], $0x2000, $0x38;
	[tilespmem:$0x2080] =	vst v63  }
0x3a: {  	_ =	swait.ge [sflag:s4], $0x2000  }
0x3b: {  	[sflag:s4] =	ssyncset.done $0x0  }
.LBB2_3:
0x3c: {  	[sflag:s4] =	ssyncadd.s32 $0xFFFFE000  }
.LBB2_4:
0x3d: {  	_ =	sfence.sel $0x180000  }
0x3e: {  	[bflag:$0x0] =	sbarrier.arrive $0xFFFF  }
0x3f: {  	p0 =	sne.s32 s1, $0x0;
	_ =	strace $0x90000047  }
0x40: {  	s0 =	sadd.s32 @!p0 $0x100000, s0;
	[bflag:$0x2] =	sbarrier.arrive $0xFFFF  }
0x41: {  	[sflag:s0] =	ssyncadd.tile.s32 @!p0 $0x1;
	_ =	shalt  }
.Lfunc_end2:
_tile_overlayer_lowered:
.L_overlay_start_2:
0x42: {  	(tag) =	ssettag $0x2  }
0x43: {  	s0 =	rddreg [dreg:$0x0];
	s2 =	stileid.u32  }
0x44: {  	s1 =	rddreg [dreg:$0x1];
	p0 =	sne.s32 s2, $0x0  }
0x45: {  	s3 =	rddreg [dreg:$0x2];
	[bflag:$0x3] =	sbarrier.arrive $0xFFFF;
	s2 =	simm.s32 @!p0 $0x1C02  }
0x46: {  	[timem:s3], [sflag:s2] =	dma.local @!p0 [hbm:s0], s1  }
0x47: {  	s0 =	simm.s32 @!p0 $0x2  }
0x48: {  	_ =	swait.ge @!p0 [sflag:s0], s1  }
0x49: {  	s1 =	ssub.s32 @!p0 $0x0, s1;
	[sflag:s0] =	ssyncset.done @!p0 $0x0  }
0x4a: {  	[sflag:s0] =	ssyncadd.s32 @!p0 s1  }
0x4b: {  	[bflag:$0x3] =	sbarrier.arrive $0xFFFF  }
0x4c: {  	_ =	shalt  }

</sc_bundles>
